<compile_context>
chip_gen: v7x
topology: tpu7x:2x2x1
jax: 0.10.2.dev20260603
libtpu: 0.0.44.dev20260713+nightly
codegen_flags: <defaults>
</compile_context>

<pallas_src>
import functools

import jax
import jax.numpy as jnp
from jax import lax
from jax.experimental import pallas as pl
from jax.experimental.pallas import tpu as pltpu
from jax.experimental.pallas import tpu_sc as plsc

_B, _S, _D = 4, 4096, 1024
_NC, _NS, _L = 2, 16, 16
_NW = _NC * _NS
_SPW = _S // _NW
_CS = 32
_NCHUNK = _SPW // _CS
_CE = _CS * _D
_NBUF = 3
_NITEMS = _NCHUNK * _B
_PD = 2


def _make_sc_kernel():
    mesh = plsc.VectorSubcoreMesh(core_axis_name="c", subcore_axis_name="s")

    @functools.partial(
        pl.kernel,
        out_type=jax.ShapeDtypeStruct((_B * _S * _D,), jnp.float32),
        mesh=mesh,
        scratch_types=[pltpu.VMEM_SHARED((_NS * _NBUF * _CE,), jnp.float32)]
        + [pltpu.SemaphoreType.DMA] * (2 * _NBUF),
    )
    def sc_copy(x_hbm, out_hbm, shared, *sems):
        in_sems = sems[:_NBUF]
        out_sems = sems[_NBUF:]

        sid = lax.axis_index("s")
        wid = sid * _NC + lax.axis_index("c")
        base = wid * (_SPW * _D)
        sbase = sid * (_NBUF * _CE)

        def x_off(k):
            c, b = divmod(k, _B)
            return b * (_S * _D) + base + c * _CE

        def buf(j):
            return shared.at[pl.ds(sbase + j * _CE, _CE)]

        def gather_x(k):
            j = k % _NBUF
            return pltpu.async_copy(
                x_hbm.at[pl.ds(x_off(k), _CE)], buf(j), in_sems[j]
            )

        x_d = {k: gather_x(k) for k in range(_PD)}
        scat_d = {}

        for k in range(_NITEMS):
            j = k % _NBUF
            x_d[k].wait()
            scat_d[k] = pltpu.async_copy(
                buf(j), out_hbm.at[pl.ds(x_off(k), _CE)], out_sems[j]
            )
            kn = k + _PD
            if kn < _NITEMS:
                if kn - _NBUF >= 0:
                    scat_d[kn - _NBUF].wait()
                x_d[kn] = gather_x(kn)

        for k in range(_NITEMS - _NBUF, _NITEMS):
            if k >= 0:
                scat_d[k].wait()

    return sc_copy


_sc_copy = _make_sc_kernel()


def kernel(x, pos_table):
    b, s, d = x.shape
    out = _sc_copy(x.reshape(-1))
    return out.reshape(b, s, d)

# --- scband reference (transcript-rebuilt; emitter-appended) ---
"""Pipeline reference for scband-learnable-positional-encoding-72353019069051 (READ-ONLY COPY).

The authoritative reference and input builder live on the scoring server;
editing this copy changes nothing except your own understanding.
"""

import jax, jax.numpy as jnp
import numpy as np

MAX_LEN = 8192
HIDDEN_DIM = 1024
B, S, D = 4, 4096, 1024

def setup_inputs(seed: int = 0) -> dict:
    key = jax.random.key(seed)
    k1, k2 = jax.random.split(key)
    x = jax.random.normal(k1, (B, S, D), dtype=jnp.float32)
    # nn.Embedding default init: N(0, 1)
    pos_table = jax.random.normal(k2, (MAX_LEN, HIDDEN_DIM), dtype=jnp.float32)
    return {"x": x, "pos_table": pos_table}

def reference(x, pos_table):
    seq_len = x.shape[1]
    positions = jnp.arange(0, seq_len)[None, :]  # [1, S]
    pos_emb = jnp.take(pos_table, positions, axis=0)  # [1, S, D]
    return x + pos_emb

if __name__ == "__main__":
    import jax
    _d = setup_inputs()
    print(jax.jit(kernel)(*tuple(_d.values())))

</pallas_src>

<mosaic_0001>
#map = affine_map<(d0, d1) -> (0)>
module attributes {stable_mosaic.version = 14 : i64} {
  func.func @sc_copy(%arg0: i32, %arg1: i32, %arg2: memref<16777216xf32, #tpu.memory_space<hbm>>, %arg3: memref<16777216xf32, #tpu.memory_space<hbm>>, %arg4: memref<1572864xf32, #tpu.memory_space<vmem_shared>>, %arg5: memref<!tpu.dma_semaphore, #tpu.memory_space<semaphore_mem>>, %arg6: memref<!tpu.dma_semaphore, #tpu.memory_space<semaphore_mem>>, %arg7: memref<!tpu.dma_semaphore, #tpu.memory_space<semaphore_mem>>, %arg8: memref<!tpu.dma_semaphore, #tpu.memory_space<semaphore_mem>>, %arg9: memref<!tpu.dma_semaphore, #tpu.memory_space<semaphore_mem>>, %arg10: memref<!tpu.dma_semaphore, #tpu.memory_space<semaphore_mem>>) attributes {dimension_semantics = [#tpu.dimension_semantics<core_parallel>, #tpu.dimension_semantics<subcore_parallel>], iteration_bounds = array<i64: 2, 16>, scalar_prefetch = 0 : i64, scratch_operands = 7 : i64, tpu.core_type = #tpu.core_type<sc_vector_subcore>, window_params = [{transform_indices = #map}, {transform_indices = #map}]} {
    %mul3A = arith.constant 2 : i32
    %mul3A_0 = arith.muli %arg1, %mul3A : i32
    %add3A = arith.addi %mul3A_0, %arg0 : i32
    %mul3A_1 = arith.constant 131072 : i32
    %mul3A_2 = arith.muli %add3A, %mul3A_1 : i32
    %mul3A_3 = arith.constant 98304 : i32
    %mul3A_4 = arith.muli %arg1, %mul3A_3 : i32
    %add3A_5 = arith.constant 0 : i32
    %add3A_6 = arith.addi %add3A_5, %mul3A_2 : i32
    %add3A_7 = arith.constant 0 : i32
    %add3A_8 = arith.addi %add3A_6, %add3A_7 : i32
    %add3A_9 = arith.constant 0 : i32
    %add3A_10 = arith.addi %mul3A_4, %add3A_9 : i32
    %dma_start3A = tpu.memref_slice %arg4[%add3A_10] : memref<1572864xf32, #tpu.memory_space<vmem_shared>> -> memref<32768xf32, #tpu.memory_space<vmem_shared>>
    %dma_start3A_11 = tpu.memref_slice %arg2[%add3A_8] : memref<16777216xf32, #tpu.memory_space<hbm>> -> memref<32768xf32, #tpu.memory_space<hbm>>
    tpu.enqueue_dma source(%dma_start3A_11 : memref<32768xf32, #tpu.memory_space<hbm>>) target(%dma_start3A : memref<32768xf32, #tpu.memory_space<vmem_shared>>) target_semaphore(%arg5 : memref<!tpu.dma_semaphore, #tpu.memory_space<semaphore_mem>>)
    %add3A_12 = arith.constant 4194304 : i32
    %add3A_13 = arith.addi %add3A_12, %mul3A_2 : i32
    %add3A_14 = arith.constant 0 : i32
    %add3A_15 = arith.addi %add3A_13, %add3A_14 : i32
    %add3A_16 = arith.constant 32768 : i32
    %add3A_17 = arith.addi %mul3A_4, %add3A_16 : i32
    %dma_start3A_18 = tpu.memref_slice %arg4[%add3A_17] : memref<1572864xf32, #tpu.memory_space<vmem_shared>> -> memref<32768xf32, #tpu.memory_space<vmem_shared>>
    %dma_start3A_19 = tpu.memref_slice %arg2[%add3A_15] : memref<16777216xf32, #tpu.memory_space<hbm>> -> memref<32768xf32, #tpu.memory_space<hbm>>
    tpu.enqueue_dma source(%dma_start3A_19 : memref<32768xf32, #tpu.memory_space<hbm>>) target(%dma_start3A_18 : memref<32768xf32, #tpu.memory_space<vmem_shared>>) target_semaphore(%arg6 : memref<!tpu.dma_semaphore, #tpu.memory_space<semaphore_mem>>)
    %dma_wait3A = tpu.memref_slice %arg4[%add3A_10] : memref<1572864xf32, #tpu.memory_space<vmem_shared>> -> memref<32768xf32, #tpu.memory_space<vmem_shared>>
    %dma_wait3A_20 = tpu.memref_slice %arg2[%add3A_8] : memref<16777216xf32, #tpu.memory_space<hbm>> -> memref<32768xf32, #tpu.memory_space<hbm>>
    tpu.wait_dma2 semaphore(%arg5 : memref<!tpu.dma_semaphore, #tpu.memory_space<semaphore_mem>>) src(%dma_wait3A_20 : memref<32768xf32, #tpu.memory_space<hbm>>) dst(%dma_wait3A : memref<32768xf32, #tpu.memory_space<vmem_shared>>)
    %add3A_21 = arith.constant 0 : i32
    %add3A_22 = arith.addi %mul3A_4, %add3A_21 : i32
    %add3A_23 = arith.constant 0 : i32
    %add3A_24 = arith.addi %add3A_23, %mul3A_2 : i32
    %add3A_25 = arith.constant 0 : i32
    %add3A_26 = arith.addi %add3A_24, %add3A_25 : i32
    %dma_start3A_27 = tpu.memref_slice %arg3[%add3A_26] : memref<16777216xf32, #tpu.memory_space<hbm>> -> memref<32768xf32, #tpu.memory_space<hbm>>
    %dma_start3A_28 = tpu.memref_slice %arg4[%add3A_22] : memref<1572864xf32, #tpu.memory_space<vmem_shared>> -> memref<32768xf32, #tpu.memory_space<vmem_shared>>
    tpu.enqueue_dma source(%dma_start3A_28 : memref<32768xf32, #tpu.memory_space<vmem_shared>>) target(%dma_start3A_27 : memref<32768xf32, #tpu.memory_space<hbm>>) target_semaphore(%arg8 : memref<!tpu.dma_semaphore, #tpu.memory_space<semaphore_mem>>)
    %add3A_29 = arith.constant 8388608 : i32
    %add3A_30 = arith.addi %add3A_29, %mul3A_2 : i32
    %add3A_31 = arith.constant 0 : i32
    %add3A_32 = arith.addi %add3A_30, %add3A_31 : i32
    %add3A_33 = arith.constant 65536 : i32
    %add3A_34 = arith.addi %mul3A_4, %add3A_33 : i32
    %dma_start3A_35 = tpu.memref_slice %arg4[%add3A_34] : memref<1572864xf32, #tpu.memory_space<vmem_shared>> -> memref<32768xf32, #tpu.memory_space<vmem_shared>>
    %dma_start3A_36 = tpu.memref_slice %arg2[%add3A_32] : memref<16777216xf32, #tpu.memory_space<hbm>> -> memref<32768xf32, #tpu.memory_space<hbm>>
    tpu.enqueue_dma source(%dma_start3A_36 : memref<32768xf32, #tpu.memory_space<hbm>>) target(%dma_start3A_35 : memref<32768xf32, #tpu.memory_space<vmem_shared>>) target_semaphore(%arg7 : memref<!tpu.dma_semaphore, #tpu.memory_space<semaphore_mem>>)
    %dma_wait3A_37 = tpu.memref_slice %arg4[%add3A_17] : memref<1572864xf32, #tpu.memory_space<vmem_shared>> -> memref<32768xf32, #tpu.memory_space<vmem_shared>>
    %dma_wait3A_38 = tpu.memref_slice %arg2[%add3A_15] : memref<16777216xf32, #tpu.memory_space<hbm>> -> memref<32768xf32, #tpu.memory_space<hbm>>
    tpu.wait_dma2 semaphore(%arg6 : memref<!tpu.dma_semaphore, #tpu.memory_space<semaphore_mem>>) src(%dma_wait3A_38 : memref<32768xf32, #tpu.memory_space<hbm>>) dst(%dma_wait3A_37 : memref<32768xf32, #tpu.memory_space<vmem_shared>>)
    %add3A_39 = arith.constant 32768 : i32
    %add3A_40 = arith.addi %mul3A_4, %add3A_39 : i32
    %add3A_41 = arith.constant 4194304 : i32
    %add3A_42 = arith.addi %add3A_41, %mul3A_2 : i32
    %add3A_43 = arith.constant 0 : i32
    %add3A_44 = arith.addi %add3A_42, %add3A_43 : i32
    %dma_start3A_45 = tpu.memref_slice %arg3[%add3A_44] : memref<16777216xf32, #tpu.memory_space<hbm>> -> memref<32768xf32, #tpu.memory_space<hbm>>
    %dma_start3A_46 = tpu.memref_slice %arg4[%add3A_40] : memref<1572864xf32, #tpu.memory_space<vmem_shared>> -> memref<32768xf32, #tpu.memory_space<vmem_shared>>
    tpu.enqueue_dma source(%dma_start3A_46 : memref<32768xf32, #tpu.memory_space<vmem_shared>>) target(%dma_start3A_45 : memref<32768xf32, #tpu.memory_space<hbm>>) target_semaphore(%arg9 : memref<!tpu.dma_semaphore, #tpu.memory_space<semaphore_mem>>)
    %dma_wait3A_47 = tpu.memref_slice %arg3[%add3A_26] : memref<16777216xf32, #tpu.memory_space<hbm>> -> memref<32768xf32, #tpu.memory_space<hbm>>
    %dma_wait3A_48 = tpu.memref_slice %arg4[%add3A_22] : memref<1572864xf32, #tpu.memory_space<vmem_shared>> -> memref<32768xf32, #tpu.memory_space<vmem_shared>>
    tpu.wait_dma2 semaphore(%arg8 : memref<!tpu.dma_semaphore, #tpu.memory_space<semaphore_mem>>) src(%dma_wait3A_48 : memref<32768xf32, #tpu.memory_space<vmem_shared>>) dst(%dma_wait3A_47 : memref<32768xf32, #tpu.memory_space<hbm>>)
    %add3A_49 = arith.constant 12582912 : i32
    %add3A_50 = arith.addi %add3A_49, %mul3A_2 : i32
    %add3A_51 = arith.constant 0 : i32
    %add3A_52 = arith.addi %add3A_50, %add3A_51 : i32
    %add3A_53 = arith.constant 0 : i32
    %add3A_54 = arith.addi %mul3A_4, %add3A_53 : i32
    %dma_start3A_55 = tpu.memref_slice %arg4[%add3A_54] : memref<1572864xf32, #tpu.memory_space<vmem_shared>> -> memref<32768xf32, #tpu.memory_space<vmem_shared>>
    %dma_start3A_56 = tpu.memref_slice %arg2[%add3A_52] : memref<16777216xf32, #tpu.memory_space<hbm>> -> memref<32768xf32, #tpu.memory_space<hbm>>
    tpu.enqueue_dma source(%dma_start3A_56 : memref<32768xf32, #tpu.memory_space<hbm>>) target(%dma_start3A_55 : memref<32768xf32, #tpu.memory_space<vmem_shared>>) target_semaphore(%arg5 : memref<!tpu.dma_semaphore, #tpu.memory_space<semaphore_mem>>)
    %dma_wait3A_57 = tpu.memref_slice %arg4[%add3A_34] : memref<1572864xf32, #tpu.memory_space<vmem_shared>> -> memref<32768xf32, #tpu.memory_space<vmem_shared>>
    %dma_wait3A_58 = tpu.memref_slice %arg2[%add3A_32] : memref<16777216xf32, #tpu.memory_space<hbm>> -> memref<32768xf32, #tpu.memory_space<hbm>>
    tpu.wait_dma2 semaphore(%arg7 : memref<!tpu.dma_semaphore, #tpu.memory_space<semaphore_mem>>) src(%dma_wait3A_58 : memref<32768xf32, #tpu.memory_space<hbm>>) dst(%dma_wait3A_57 : memref<32768xf32, #tpu.memory_space<vmem_shared>>)
    %add3A_59 = arith.constant 65536 : i32
    %add3A_60 = arith.addi %mul3A_4, %add3A_59 : i32
    %add3A_61 = arith.constant 8388608 : i32
    %add3A_62 = arith.addi %add3A_61, %mul3A_2 : i32
    %add3A_63 = arith.constant 0 : i32
    %add3A_64 = arith.addi %add3A_62, %add3A_63 : i32
    %dma_start3A_65 = tpu.memref_slice %arg3[%add3A_64] : memref<16777216xf32, #tpu.memory_space<hbm>> -> memref<32768xf32, #tpu.memory_space<hbm>>
    %dma_start3A_66 = tpu.memref_slice %arg4[%add3A_60] : memref<1572864xf32, #tpu.memory_space<vmem_shared>> -> memref<32768xf32, #tpu.memory_space<vmem_shared>>
    tpu.enqueue_dma source(%dma_start3A_66 : memref<32768xf32, #tpu.memory_space<vmem_shared>>) target(%dma_start3A_65 : memref<32768xf32, #tpu.memory_space<hbm>>) target_semaphore(%arg10 : memref<!tpu.dma_semaphore, #tpu.memory_space<semaphore_mem>>)
    %dma_wait3A_67 = tpu.memref_slice %arg3[%add3A_44] : memref<16777216xf32, #tpu.memory_space<hbm>> -> memref<32768xf32, #tpu.memory_space<hbm>>
    %dma_wait3A_68 = tpu.memref_slice %arg4[%add3A_40] : memref<1572864xf32, #tpu.memory_space<vmem_shared>> -> memref<32768xf32, #tpu.memory_space<vmem_shared>>
    tpu.wait_dma2 semaphore(%arg9 : memref<!tpu.dma_semaphore, #tpu.memory_space<semaphore_mem>>) src(%dma_wait3A_68 : memref<32768xf32, #tpu.memory_space<vmem_shared>>) dst(%dma_wait3A_67 : memref<32768xf32, #tpu.memory_space<hbm>>)
    %add3A_69 = arith.constant 0 : i32
    %add3A_70 = arith.addi %add3A_69, %mul3A_2 : i32
    %add3A_71 = arith.constant 32768 : i32
    %add3A_72 = arith.addi %add3A_70, %add3A_71 : i32
    %add3A_73 = arith.constant 32768 : i32
    %add3A_74 = arith.addi %mul3A_4, %add3A_73 : i32
    %dma_start3A_75 = tpu.memref_slice %arg4[%add3A_74] : memref<1572864xf32, #tpu.memory_space<vmem_shared>> -> memref<32768xf32, #tpu.memory_space<vmem_shared>>
    %dma_start3A_76 = tpu.memref_slice %arg2[%add3A_72] : memref<16777216xf32, #tpu.memory_space<hbm>> -> memref<32768xf32, #tpu.memory_space<hbm>>
    tpu.enqueue_dma source(%dma_start3A_76 : memref<32768xf32, #tpu.memory_space<hbm>>) target(%dma_start3A_75 : memref<32768xf32, #tpu.memory_space<vmem_shared>>) target_semaphore(%arg6 : memref<!tpu.dma_semaphore, #tpu.memory_space<semaphore_mem>>)
    %dma_wait3A_77 = tpu.memref_slice %arg4[%add3A_54] : memref<1572864xf32, #tpu.memory_space<vmem_shared>> -> memref<32768xf32, #tpu.memory_space<vmem_shared>>
    %dma_wait3A_78 = tpu.memref_slice %arg2[%add3A_52] : memref<16777216xf32, #tpu.memory_space<hbm>> -> memref<32768xf32, #tpu.memory_space<hbm>>
    tpu.wait_dma2 semaphore(%arg5 : memref<!tpu.dma_semaphore, #tpu.memory_space<semaphore_mem>>) src(%dma_wait3A_78 : memref<32768xf32, #tpu.memory_space<hbm>>) dst(%dma_wait3A_77 : memref<32768xf32, #tpu.memory_space<vmem_shared>>)
    %add3A_79 = arith.constant 0 : i32
    %add3A_80 = arith.addi %mul3A_4, %add3A_79 : i32
    %add3A_81 = arith.constant 12582912 : i32
    %add3A_82 = arith.addi %add3A_81, %mul3A_2 : i32
    %add3A_83 = arith.constant 0 : i32
    %add3A_84 = arith.addi %add3A_82, %add3A_83 : i32
    %dma_start3A_85 = tpu.memref_slice %arg3[%add3A_84] : memref<16777216xf32, #tpu.memory_space<hbm>> -> memref<32768xf32, #tpu.memory_space<hbm>>
    %dma_start3A_86 = tpu.memref_slice %arg4[%add3A_80] : memref<1572864xf32, #tpu.memory_space<vmem_shared>> -> memref<32768xf32, #tpu.memory_space<vmem_shared>>
    tpu.enqueue_dma source(%dma_start3A_86 : memref<32768xf32, #tpu.memory_space<vmem_shared>>) target(%dma_start3A_85 : memref<32768xf32, #tpu.memory_space<hbm>>) target_semaphore(%arg8 : memref<!tpu.dma_semaphore, #tpu.memory_space<semaphore_mem>>)
    %dma_wait3A_87 = tpu.memref_slice %arg3[%add3A_64] : memref<16777216xf32, #tpu.memory_space<hbm>> -> memref<32768xf32, #tpu.memory_space<hbm>>
    %dma_wait3A_88 = tpu.memref_slice %arg4[%add3A_60] : memref<1572864xf32, #tpu.memory_space<vmem_shared>> -> memref<32768xf32, #tpu.memory_space<vmem_shared>>
    tpu.wait_dma2 semaphore(%arg10 : memref<!tpu.dma_semaphore, #tpu.memory_space<semaphore_mem>>) src(%dma_wait3A_88 : memref<32768xf32, #tpu.memory_space<vmem_shared>>) dst(%dma_wait3A_87 : memref<32768xf32, #tpu.memory_space<hbm>>)
    %add3A_89 = arith.constant 4194304 : i32
    %add3A_90 = arith.addi %add3A_89, %mul3A_2 : i32
    %add3A_91 = arith.constant 32768 : i32
    %add3A_92 = arith.addi %add3A_90, %add3A_91 : i32
    %add3A_93 = arith.constant 65536 : i32
    %add3A_94 = arith.addi %mul3A_4, %add3A_93 : i32
    %dma_start3A_95 = tpu.memref_slice %arg4[%add3A_94] : memref<1572864xf32, #tpu.memory_space<vmem_shared>> -> memref<32768xf32, #tpu.memory_space<vmem_shared>>
    %dma_start3A_96 = tpu.memref_slice %arg2[%add3A_92] : memref<16777216xf32, #tpu.memory_space<hbm>> -> memref<32768xf32, #tpu.memory_space<hbm>>
    tpu.enqueue_dma source(%dma_start3A_96 : memref<32768xf32, #tpu.memory_space<hbm>>) target(%dma_start3A_95 : memref<32768xf32, #tpu.memory_space<vmem_shared>>) target_semaphore(%arg7 : memref<!tpu.dma_semaphore, #tpu.memory_space<semaphore_mem>>)
    %dma_wait3A_97 = tpu.memref_slice %arg4[%add3A_74] : memref<1572864xf32, #tpu.memory_space<vmem_shared>> -> memref<32768xf32, #tpu.memory_space<vmem_shared>>
    %dma_wait3A_98 = tpu.memref_slice %arg2[%add3A_72] : memref<16777216xf32, #tpu.memory_space<hbm>> -> memref<32768xf32, #tpu.memory_space<hbm>>
    tpu.wait_dma2 semaphore(%arg6 : memref<!tpu.dma_semaphore, #tpu.memory_space<semaphore_mem>>) src(%dma_wait3A_98 : memref<32768xf32, #tpu.memory_space<hbm>>) dst(%dma_wait3A_97 : memref<32768xf32, #tpu.memory_space<vmem_shared>>)
    %add3A_99 = arith.constant 32768 : i32
    %add3A_100 = arith.addi %mul3A_4, %add3A_99 : i32
    %add3A_101 = arith.constant 0 : i32
    %add3A_102 = arith.addi %add3A_101, %mul3A_2 : i32
    %add3A_103 = arith.constant 32768 : i32
    %add3A_104 = arith.addi %add3A_102, %add3A_103 : i32
    %dma_start3A_105 = tpu.memref_slice %arg3[%add3A_104] : memref<16777216xf32, #tpu.memory_space<hbm>> -> memref<32768xf32, #tpu.memory_space<hbm>>
    %dma_start3A_106 = tpu.memref_slice %arg4[%add3A_100] : memref<1572864xf32, #tpu.memory_space<vmem_shared>> -> memref<32768xf32, #tpu.memory_space<vmem_shared>>
    tpu.enqueue_dma source(%dma_start3A_106 : memref<32768xf32, #tpu.memory_space<vmem_shared>>) target(%dma_start3A_105 : memref<32768xf32, #tpu.memory_space<hbm>>) target_semaphore(%arg9 : memref<!tpu.dma_semaphore, #tpu.memory_space<semaphore_mem>>)
    %dma_wait3A_107 = tpu.memref_slice %arg3[%add3A_84] : memref<16777216xf32, #tpu.memory_space<hbm>> -> memref<32768xf32, #tpu.memory_space<hbm>>
    %dma_wait3A_108 = tpu.memref_slice %arg4[%add3A_80] : memref<1572864xf32, #tpu.memory_space<vmem_shared>> -> memref<32768xf32, #tpu.memory_space<vmem_shared>>
    tpu.wait_dma2 semaphore(%arg8 : memref<!tpu.dma_semaphore, #tpu.memory_space<semaphore_mem>>) src(%dma_wait3A_108 : memref<32768xf32, #tpu.memory_space<vmem_shared>>) dst(%dma_wait3A_107 : memref<32768xf32, #tpu.memory_space<hbm>>)
    %add3A_109 = arith.constant 8388608 : i32
    %add3A_110 = arith.addi %add3A_109, %mul3A_2 : i32
    %add3A_111 = arith.constant 32768 : i32
    %add3A_112 = arith.addi %add3A_110, %add3A_111 : i32
    %add3A_113 = arith.constant 0 : i32
    %add3A_114 = arith.addi %mul3A_4, %add3A_113 : i32
    %dma_start3A_115 = tpu.memref_slice %arg4[%add3A_114] : memref<1572864xf32, #tpu.memory_space<vmem_shared>> -> memref<32768xf32, #tpu.memory_space<vmem_shared>>
    %dma_start3A_116 = tpu.memref_slice %arg2[%add3A_112] : memref<16777216xf32, #tpu.memory_space<hbm>> -> memref<32768xf32, #tpu.memory_space<hbm>>
    tpu.enqueue_dma source(%dma_start3A_116 : memref<32768xf32, #tpu.memory_space<hbm>>) target(%dma_start3A_115 : memref<32768xf32, #tpu.memory_space<vmem_shared>>) target_semaphore(%arg5 : memref<!tpu.dma_semaphore, #tpu.memory_space<semaphore_mem>>)
    %dma_wait3A_117 = tpu.memref_slice %arg4[%add3A_94] : memref<1572864xf32, #tpu.memory_space<vmem_shared>> -> memref<32768xf32, #tpu.memory_space<vmem_shared>>
    %dma_wait3A_118 = tpu.memref_slice %arg2[%add3A_92] : memref<16777216xf32, #tpu.memory_space<hbm>> -> memref<32768xf32, #tpu.memory_space<hbm>>
    tpu.wait_dma2 semaphore(%arg7 : memref<!tpu.dma_semaphore, #tpu.memory_space<semaphore_mem>>) src(%dma_wait3A_118 : memref<32768xf32, #tpu.memory_space<hbm>>) dst(%dma_wait3A_117 : memref<32768xf32, #tpu.memory_space<vmem_shared>>)
    %add3A_119 = arith.constant 65536 : i32
    %add3A_120 = arith.addi %mul3A_4, %add3A_119 : i32
    %add3A_121 = arith.constant 4194304 : i32
    %add3A_122 = arith.addi %add3A_121, %mul3A_2 : i32
    %add3A_123 = arith.constant 32768 : i32
    %add3A_124 = arith.addi %add3A_122, %add3A_123 : i32
    %dma_start3A_125 = tpu.memref_slice %arg3[%add3A_124] : memref<16777216xf32, #tpu.memory_space<hbm>> -> memref<32768xf32, #tpu.memory_space<hbm>>
    %dma_start3A_126 = tpu.memref_slice %arg4[%add3A_120] : memref<1572864xf32, #tpu.memory_space<vmem_shared>> -> memref<32768xf32, #tpu.memory_space<vmem_shared>>
    tpu.enqueue_dma source(%dma_start3A_126 : memref<32768xf32, #tpu.memory_space<vmem_shared>>) target(%dma_start3A_125 : memref<32768xf32, #tpu.memory_space<hbm>>) target_semaphore(%arg10 : memref<!tpu.dma_semaphore, #tpu.memory_space<semaphore_mem>>)
    %dma_wait3A_127 = tpu.memref_slice %arg3[%add3A_104] : memref<16777216xf32, #tpu.memory_space<hbm>> -> memref<32768xf32, #tpu.memory_space<hbm>>
    %dma_wait3A_128 = tpu.memref_slice %arg4[%add3A_100] : memref<1572864xf32, #tpu.memory_space<vmem_shared>> -> memref<32768xf32, #tpu.memory_space<vmem_shared>>
    tpu.wait_dma2 semaphore(%arg9 : memref<!tpu.dma_semaphore, #tpu.memory_space<semaphore_mem>>) src(%dma_wait3A_128 : memref<32768xf32, #tpu.memory_space<vmem_shared>>) dst(%dma_wait3A_127 : memref<32768xf32, #tpu.memory_space<hbm>>)
    %add3A_129 = arith.constant 12582912 : i32
    %add3A_130 = arith.addi %add3A_129, %mul3A_2 : i32
    %add3A_131 = arith.constant 32768 : i32
    %add3A_132 = arith.addi %add3A_130, %add3A_131 : i32
    %add3A_133 = arith.constant 32768 : i32
    %add3A_134 = arith.addi %mul3A_4, %add3A_133 : i32
    %dma_start3A_135 = tpu.memref_slice %arg4[%add3A_134] : memref<1572864xf32, #tpu.memory_space<vmem_shared>> -> memref<32768xf32, #tpu.memory_space<vmem_shared>>
    %dma_start3A_136 = tpu.memref_slice %arg2[%add3A_132] : memref<16777216xf32, #tpu.memory_space<hbm>> -> memref<32768xf32, #tpu.memory_space<hbm>>
    tpu.enqueue_dma source(%dma_start3A_136 : memref<32768xf32, #tpu.memory_space<hbm>>) target(%dma_start3A_135 : memref<32768xf32, #tpu.memory_space<vmem_shared>>) target_semaphore(%arg6 : memref<!tpu.dma_semaphore, #tpu.memory_space<semaphore_mem>>)
    %dma_wait3A_137 = tpu.memref_slice %arg4[%add3A_114] : memref<1572864xf32, #tpu.memory_space<vmem_shared>> -> memref<32768xf32, #tpu.memory_space<vmem_shared>>
    %dma_wait3A_138 = tpu.memref_slice %arg2[%add3A_112] : memref<16777216xf32, #tpu.memory_space<hbm>> -> memref<32768xf32, #tpu.memory_space<hbm>>
    tpu.wait_dma2 semaphore(%arg5 : memref<!tpu.dma_semaphore, #tpu.memory_space<semaphore_mem>>) src(%dma_wait3A_138 : memref<32768xf32, #tpu.memory_space<hbm>>) dst(%dma_wait3A_137 : memref<32768xf32, #tpu.memory_space<vmem_shared>>)
    %add3A_139 = arith.constant 0 : i32
    %add3A_140 = arith.addi %mul3A_4, %add3A_139 : i32
    %add3A_141 = arith.constant 8388608 : i32
    %add3A_142 = arith.addi %add3A_141, %mul3A_2 : i32
    %add3A_143 = arith.constant 32768 : i32
    %add3A_144 = arith.addi %add3A_142, %add3A_143 : i32
    %dma_start3A_145 = tpu.memref_slice %arg3[%add3A_144] : memref<16777216xf32, #tpu.memory_space<hbm>> -> memref<32768xf32, #tpu.memory_space<hbm>>
    %dma_start3A_146 = tpu.memref_slice %arg4[%add3A_140] : memref<1572864xf32, #tpu.memory_space<vmem_shared>> -> memref<32768xf32, #tpu.memory_space<vmem_shared>>
    tpu.enqueue_dma source(%dma_start3A_146 : memref<32768xf32, #tpu.memory_space<vmem_shared>>) target(%dma_start3A_145 : memref<32768xf32, #tpu.memory_space<hbm>>) target_semaphore(%arg8 : memref<!tpu.dma_semaphore, #tpu.memory_space<semaphore_mem>>)
    %dma_wait3A_147 = tpu.memref_slice %arg3[%add3A_124] : memref<16777216xf32, #tpu.memory_space<hbm>> -> memref<32768xf32, #tpu.memory_space<hbm>>
    %dma_wait3A_148 = tpu.memref_slice %arg4[%add3A_120] : memref<1572864xf32, #tpu.memory_space<vmem_shared>> -> memref<32768xf32, #tpu.memory_space<vmem_shared>>
    tpu.wait_dma2 semaphore(%arg10 : memref<!tpu.dma_semaphore, #tpu.memory_space<semaphore_mem>>) src(%dma_wait3A_148 : memref<32768xf32, #tpu.memory_space<vmem_shared>>) dst(%dma_wait3A_147 : memref<32768xf32, #tpu.memory_space<hbm>>)
    %add3A_149 = arith.constant 0 : i32
    %add3A_150 = arith.addi %add3A_149, %mul3A_2 : i32
    %add3A_151 = arith.constant 65536 : i32
    %add3A_152 = arith.addi %add3A_150, %add3A_151 : i32
    %add3A_153 = arith.constant 65536 : i32
    %add3A_154 = arith.addi %mul3A_4, %add3A_153 : i32
    %dma_start3A_155 = tpu.memref_slice %arg4[%add3A_154] : memref<1572864xf32, #tpu.memory_space<vmem_shared>> -> memref<32768xf32, #tpu.memory_space<vmem_shared>>
    %dma_start3A_156 = tpu.memref_slice %arg2[%add3A_152] : memref<16777216xf32, #tpu.memory_space<hbm>> -> memref<32768xf32, #tpu.memory_space<hbm>>
    tpu.enqueue_dma source(%dma_start3A_156 : memref<32768xf32, #tpu.memory_space<hbm>>) target(%dma_start3A_155 : memref<32768xf32, #tpu.memory_space<vmem_shared>>) target_semaphore(%arg7 : memref<!tpu.dma_semaphore, #tpu.memory_space<semaphore_mem>>)
    %dma_wait3A_157 = tpu.memref_slice %arg4[%add3A_134] : memref<1572864xf32, #tpu.memory_space<vmem_shared>> -> memref<32768xf32, #tpu.memory_space<vmem_shared>>
    %dma_wait3A_158 = tpu.memref_slice %arg2[%add3A_132] : memref<16777216xf32, #tpu.memory_space<hbm>> -> memref<32768xf32, #tpu.memory_space<hbm>>
    tpu.wait_dma2 semaphore(%arg6 : memref<!tpu.dma_semaphore, #tpu.memory_space<semaphore_mem>>) src(%dma_wait3A_158 : memref<32768xf32, #tpu.memory_space<hbm>>) dst(%dma_wait3A_157 : memref<32768xf32, #tpu.memory_space<vmem_shared>>)
    %add3A_159 = arith.constant 32768 : i32
    %add3A_160 = arith.addi %mul3A_4, %add3A_159 : i32
    %add3A_161 = arith.constant 12582912 : i32
    %add3A_162 = arith.addi %add3A_161, %mul3A_2 : i32
    %add3A_163 = arith.constant 32768 : i32
    %add3A_164 = arith.addi %add3A_162, %add3A_163 : i32
    %dma_start3A_165 = tpu.memref_slice %arg3[%add3A_164] : memref<16777216xf32, #tpu.memory_space<hbm>> -> memref<32768xf32, #tpu.memory_space<hbm>>
    %dma_start3A_166 = tpu.memref_slice %arg4[%add3A_160] : memref<1572864xf32, #tpu.memory_space<vmem_shared>> -> memref<32768xf32, #tpu.memory_space<vmem_shared>>
    tpu.enqueue_dma source(%dma_start3A_166 : memref<32768xf32, #tpu.memory_space<vmem_shared>>) target(%dma_start3A_165 : memref<32768xf32, #tpu.memory_space<hbm>>) target_semaphore(%arg9 : memref<!tpu.dma_semaphore, #tpu.memory_space<semaphore_mem>>)
    %dma_wait3A_167 = tpu.memref_slice %arg3[%add3A_144] : memref<16777216xf32, #tpu.memory_space<hbm>> -> memref<32768xf32, #tpu.memory_space<hbm>>
    %dma_wait3A_168 = tpu.memref_slice %arg4[%add3A_140] : memref<1572864xf32, #tpu.memory_space<vmem_shared>> -> memref<32768xf32, #tpu.memory_space<vmem_shared>>
    tpu.wait_dma2 semaphore(%arg8 : memref<!tpu.dma_semaphore, #tpu.memory_space<semaphore_mem>>) src(%dma_wait3A_168 : memref<32768xf32, #tpu.memory_space<vmem_shared>>) dst(%dma_wait3A_167 : memref<32768xf32, #tpu.memory_space<hbm>>)
    %add3A_169 = arith.constant 4194304 : i32
    %add3A_170 = arith.addi %add3A_169, %mul3A_2 : i32
    %add3A_171 = arith.constant 65536 : i32
    %add3A_172 = arith.addi %add3A_170, %add3A_171 : i32
    %add3A_173 = arith.constant 0 : i32
    %add3A_174 = arith.addi %mul3A_4, %add3A_173 : i32
    %dma_start3A_175 = tpu.memref_slice %arg4[%add3A_174] : memref<1572864xf32, #tpu.memory_space<vmem_shared>> -> memref<32768xf32, #tpu.memory_space<vmem_shared>>
    %dma_start3A_176 = tpu.memref_slice %arg2[%add3A_172] : memref<16777216xf32, #tpu.memory_space<hbm>> -> memref<32768xf32, #tpu.memory_space<hbm>>
    tpu.enqueue_dma source(%dma_start3A_176 : memref<32768xf32, #tpu.memory_space<hbm>>) target(%dma_start3A_175 : memref<32768xf32, #tpu.memory_space<vmem_shared>>) target_semaphore(%arg5 : memref<!tpu.dma_semaphore, #tpu.memory_space<semaphore_mem>>)
    %dma_wait3A_177 = tpu.memref_slice %arg4[%add3A_154] : memref<1572864xf32, #tpu.memory_space<vmem_shared>> -> memref<32768xf32, #tpu.memory_space<vmem_shared>>
    %dma_wait3A_178 = tpu.memref_slice %arg2[%add3A_152] : memref<16777216xf32, #tpu.memory_space<hbm>> -> memref<32768xf32, #tpu.memory_space<hbm>>
    tpu.wait_dma2 semaphore(%arg7 : memref<!tpu.dma_semaphore, #tpu.memory_space<semaphore_mem>>) src(%dma_wait3A_178 : memref<32768xf32, #tpu.memory_space<hbm>>) dst(%dma_wait3A_177 : memref<32768xf32, #tpu.memory_space<vmem_shared>>)
    %add3A_179 = arith.constant 65536 : i32
    %add3A_180 = arith.addi %mul3A_4, %add3A_179 : i32
    %add3A_181 = arith.constant 0 : i32
    %add3A_182 = arith.addi %add3A_181, %mul3A_2 : i32
    %add3A_183 = arith.constant 65536 : i32
    %add3A_184 = arith.addi %add3A_182, %add3A_183 : i32
    %dma_start3A_185 = tpu.memref_slice %arg3[%add3A_184] : memref<16777216xf32, #tpu.memory_space<hbm>> -> memref<32768xf32, #tpu.memory_space<hbm>>
    %dma_start3A_186 = tpu.memref_slice %arg4[%add3A_180] : memref<1572864xf32, #tpu.memory_space<vmem_shared>> -> memref<32768xf32, #tpu.memory_space<vmem_shared>>
    tpu.enqueue_dma source(%dma_start3A_186 : memref<32768xf32, #tpu.memory_space<vmem_shared>>) target(%dma_start3A_185 : memref<32768xf32, #tpu.memory_space<hbm>>) target_semaphore(%arg10 : memref<!tpu.dma_semaphore, #tpu.memory_space<semaphore_mem>>)
    %dma_wait3A_187 = tpu.memref_slice %arg3[%add3A_164] : memref<16777216xf32, #tpu.memory_space<hbm>> -> memref<32768xf32, #tpu.memory_space<hbm>>
    %dma_wait3A_188 = tpu.memref_slice %arg4[%add3A_160] : memref<1572864xf32, #tpu.memory_space<vmem_shared>> -> memref<32768xf32, #tpu.memory_space<vmem_shared>>
    tpu.wait_dma2 semaphore(%arg9 : memref<!tpu.dma_semaphore, #tpu.memory_space<semaphore_mem>>) src(%dma_wait3A_188 : memref<32768xf32, #tpu.memory_space<vmem_shared>>) dst(%dma_wait3A_187 : memref<32768xf32, #tpu.memory_space<hbm>>)
    %add3A_189 = arith.constant 8388608 : i32
    %add3A_190 = arith.addi %add3A_189, %mul3A_2 : i32
    %add3A_191 = arith.constant 65536 : i32
    %add3A_192 = arith.addi %add3A_190, %add3A_191 : i32
    %add3A_193 = arith.constant 32768 : i32
    %add3A_194 = arith.addi %mul3A_4, %add3A_193 : i32
    %dma_start3A_195 = tpu.memref_slice %arg4[%add3A_194] : memref<1572864xf32, #tpu.memory_space<vmem_shared>> -> memref<32768xf32, #tpu.memory_space<vmem_shared>>
    %dma_start3A_196 = tpu.memref_slice %arg2[%add3A_192] : memref<16777216xf32, #tpu.memory_space<hbm>> -> memref<32768xf32, #tpu.memory_space<hbm>>
    tpu.enqueue_dma source(%dma_start3A_196 : memref<32768xf32, #tpu.memory_space<hbm>>) target(%dma_start3A_195 : memref<32768xf32, #tpu.memory_space<vmem_shared>>) target_semaphore(%arg6 : memref<!tpu.dma_semaphore, #tpu.memory_space<semaphore_mem>>)
    %dma_wait3A_197 = tpu.memref_slice %arg4[%add3A_174] : memref<1572864xf32, #tpu.memory_space<vmem_shared>> -> memref<32768xf32, #tpu.memory_space<vmem_shared>>
    %dma_wait3A_198 = tpu.memref_slice %arg2[%add3A_172] : memref<16777216xf32, #tpu.memory_space<hbm>> -> memref<32768xf32, #tpu.memory_space<hbm>>
    tpu.wait_dma2 semaphore(%arg5 : memref<!tpu.dma_semaphore, #tpu.memory_space<semaphore_mem>>) src(%dma_wait3A_198 : memref<32768xf32, #tpu.memory_space<hbm>>) dst(%dma_wait3A_197 : memref<32768xf32, #tpu.memory_space<vmem_shared>>)
    %add3A_199 = arith.constant 0 : i32
    %add3A_200 = arith.addi %mul3A_4, %add3A_199 : i32
    %add3A_201 = arith.constant 4194304 : i32
    %add3A_202 = arith.addi %add3A_201, %mul3A_2 : i32
    %add3A_203 = arith.constant 65536 : i32
    %add3A_204 = arith.addi %add3A_202, %add3A_203 : i32
    %dma_start3A_205 = tpu.memref_slice %arg3[%add3A_204] : memref<16777216xf32, #tpu.memory_space<hbm>> -> memref<32768xf32, #tpu.memory_space<hbm>>
    %dma_start3A_206 = tpu.memref_slice %arg4[%add3A_200] : memref<1572864xf32, #tpu.memory_space<vmem_shared>> -> memref<32768xf32, #tpu.memory_space<vmem_shared>>
    tpu.enqueue_dma source(%dma_start3A_206 : memref<32768xf32, #tpu.memory_space<vmem_shared>>) target(%dma_start3A_205 : memref<32768xf32, #tpu.memory_space<hbm>>) target_semaphore(%arg8 : memref<!tpu.dma_semaphore, #tpu.memory_space<semaphore_mem>>)
    %dma_wait3A_207 = tpu.memref_slice %arg3[%add3A_184] : memref<16777216xf32, #tpu.memory_space<hbm>> -> memref<32768xf32, #tpu.memory_space<hbm>>
    %dma_wait3A_208 = tpu.memref_slice %arg4[%add3A_180] : memref<1572864xf32, #tpu.memory_space<vmem_shared>> -> memref<32768xf32, #tpu.memory_space<vmem_shared>>
    tpu.wait_dma2 semaphore(%arg10 : memref<!tpu.dma_semaphore, #tpu.memory_space<semaphore_mem>>) src(%dma_wait3A_208 : memref<32768xf32, #tpu.memory_space<vmem_shared>>) dst(%dma_wait3A_207 : memref<32768xf32, #tpu.memory_space<hbm>>)
    %add3A_209 = arith.constant 12582912 : i32
    %add3A_210 = arith.addi %add3A_209, %mul3A_2 : i32
    %add3A_211 = arith.constant 65536 : i32
    %add3A_212 = arith.addi %add3A_210, %add3A_211 : i32
    %add3A_213 = arith.constant 65536 : i32
    %add3A_214 = arith.addi %mul3A_4, %add3A_213 : i32
    %dma_start3A_215 = tpu.memref_slice %arg4[%add3A_214] : memref<1572864xf32, #tpu.memory_space<vmem_shared>> -> memref<32768xf32, #tpu.memory_space<vmem_shared>>
    %dma_start3A_216 = tpu.memref_slice %arg2[%add3A_212] : memref<16777216xf32, #tpu.memory_space<hbm>> -> memref<32768xf32, #tpu.memory_space<hbm>>
    tpu.enqueue_dma source(%dma_start3A_216 : memref<32768xf32, #tpu.memory_space<hbm>>) target(%dma_start3A_215 : memref<32768xf32, #tpu.memory_space<vmem_shared>>) target_semaphore(%arg7 : memref<!tpu.dma_semaphore, #tpu.memory_space<semaphore_mem>>)
    %dma_wait3A_217 = tpu.memref_slice %arg4[%add3A_194] : memref<1572864xf32, #tpu.memory_space<vmem_shared>> -> memref<32768xf32, #tpu.memory_space<vmem_shared>>
    %dma_wait3A_218 = tpu.memref_slice %arg2[%add3A_192] : memref<16777216xf32, #tpu.memory_space<hbm>> -> memref<32768xf32, #tpu.memory_space<hbm>>
    tpu.wait_dma2 semaphore(%arg6 : memref<!tpu.dma_semaphore, #tpu.memory_space<semaphore_mem>>) src(%dma_wait3A_218 : memref<32768xf32, #tpu.memory_space<hbm>>) dst(%dma_wait3A_217 : memref<32768xf32, #tpu.memory_space<vmem_shared>>)
    %add3A_219 = arith.constant 32768 : i32
    %add3A_220 = arith.addi %mul3A_4, %add3A_219 : i32
    %add3A_221 = arith.constant 8388608 : i32
    %add3A_222 = arith.addi %add3A_221, %mul3A_2 : i32
    %add3A_223 = arith.constant 65536 : i32
    %add3A_224 = arith.addi %add3A_222, %add3A_223 : i32
    %dma_start3A_225 = tpu.memref_slice %arg3[%add3A_224] : memref<16777216xf32, #tpu.memory_space<hbm>> -> memref<32768xf32, #tpu.memory_space<hbm>>
    %dma_start3A_226 = tpu.memref_slice %arg4[%add3A_220] : memref<1572864xf32, #tpu.memory_space<vmem_shared>> -> memref<32768xf32, #tpu.memory_space<vmem_shared>>
    tpu.enqueue_dma source(%dma_start3A_226 : memref<32768xf32, #tpu.memory_space<vmem_shared>>) target(%dma_start3A_225 : memref<32768xf32, #tpu.memory_space<hbm>>) target_semaphore(%arg9 : memref<!tpu.dma_semaphore, #tpu.memory_space<semaphore_mem>>)
    %dma_wait3A_227 = tpu.memref_slice %arg3[%add3A_204] : memref<16777216xf32, #tpu.memory_space<hbm>> -> memref<32768xf32, #tpu.memory_space<hbm>>
    %dma_wait3A_228 = tpu.memref_slice %arg4[%add3A_200] : memref<1572864xf32, #tpu.memory_space<vmem_shared>> -> memref<32768xf32, #tpu.memory_space<vmem_shared>>
    tpu.wait_dma2 semaphore(%arg8 : memref<!tpu.dma_semaphore, #tpu.memory_space<semaphore_mem>>) src(%dma_wait3A_228 : memref<32768xf32, #tpu.memory_space<vmem_shared>>) dst(%dma_wait3A_227 : memref<32768xf32, #tpu.memory_space<hbm>>)
    %add3A_229 = arith.constant 0 : i32
    %add3A_230 = arith.addi %add3A_229, %mul3A_2 : i32
    %add3A_231 = arith.constant 98304 : i32
    %add3A_232 = arith.addi %add3A_230, %add3A_231 : i32
    %add3A_233 = arith.constant 0 : i32
    %add3A_234 = arith.addi %mul3A_4, %add3A_233 : i32
    %dma_start3A_235 = tpu.memref_slice %arg4[%add3A_234] : memref<1572864xf32, #tpu.memory_space<vmem_shared>> -> memref<32768xf32, #tpu.memory_space<vmem_shared>>
    %dma_start3A_236 = tpu.memref_slice %arg2[%add3A_232] : memref<16777216xf32, #tpu.memory_space<hbm>> -> memref<32768xf32, #tpu.memory_space<hbm>>
    tpu.enqueue_dma source(%dma_start3A_236 : memref<32768xf32, #tpu.memory_space<hbm>>) target(%dma_start3A_235 : memref<32768xf32, #tpu.memory_space<vmem_shared>>) target_semaphore(%arg5 : memref<!tpu.dma_semaphore, #tpu.memory_space<semaphore_mem>>)
    %dma_wait3A_237 = tpu.memref_slice %arg4[%add3A_214] : memref<1572864xf32, #tpu.memory_space<vmem_shared>> -> memref<32768xf32, #tpu.memory_space<vmem_shared>>
    %dma_wait3A_238 = tpu.memref_slice %arg2[%add3A_212] : memref<16777216xf32, #tpu.memory_space<hbm>> -> memref<32768xf32, #tpu.memory_space<hbm>>
    tpu.wait_dma2 semaphore(%arg7 : memref<!tpu.dma_semaphore, #tpu.memory_space<semaphore_mem>>) src(%dma_wait3A_238 : memref<32768xf32, #tpu.memory_space<hbm>>) dst(%dma_wait3A_237 : memref<32768xf32, #tpu.memory_space<vmem_shared>>)
    %add3A_239 = arith.constant 65536 : i32
    %add3A_240 = arith.addi %mul3A_4, %add3A_239 : i32
    %add3A_241 = arith.constant 12582912 : i32
    %add3A_242 = arith.addi %add3A_241, %mul3A_2 : i32
    %add3A_243 = arith.constant 65536 : i32
    %add3A_244 = arith.addi %add3A_242, %add3A_243 : i32
    %dma_start3A_245 = tpu.memref_slice %arg3[%add3A_244] : memref<16777216xf32, #tpu.memory_space<hbm>> -> memref<32768xf32, #tpu.memory_space<hbm>>
    %dma_start3A_246 = tpu.memref_slice %arg4[%add3A_240] : memref<1572864xf32, #tpu.memory_space<vmem_shared>> -> memref<32768xf32, #tpu.memory_space<vmem_shared>>
    tpu.enqueue_dma source(%dma_start3A_246 : memref<32768xf32, #tpu.memory_space<vmem_shared>>) target(%dma_start3A_245 : memref<32768xf32, #tpu.memory_space<hbm>>) target_semaphore(%arg10 : memref<!tpu.dma_semaphore, #tpu.memory_space<semaphore_mem>>)
    %dma_wait3A_247 = tpu.memref_slice %arg3[%add3A_224] : memref<16777216xf32, #tpu.memory_space<hbm>> -> memref<32768xf32, #tpu.memory_space<hbm>>
    %dma_wait3A_248 = tpu.memref_slice %arg4[%add3A_220] : memref<1572864xf32, #tpu.memory_space<vmem_shared>> -> memref<32768xf32, #tpu.memory_space<vmem_shared>>
    tpu.wait_dma2 semaphore(%arg9 : memref<!tpu.dma_semaphore, #tpu.memory_space<semaphore_mem>>) src(%dma_wait3A_248 : memref<32768xf32, #tpu.memory_space<vmem_shared>>) dst(%dma_wait3A_247 : memref<32768xf32, #tpu.memory_space<hbm>>)
    %add3A_249 = arith.constant 4194304 : i32
    %add3A_250 = arith.addi %add3A_249, %mul3A_2 : i32
    %add3A_251 = arith.constant 98304 : i32
    %add3A_252 = arith.addi %add3A_250, %add3A_251 : i32
    %add3A_253 = arith.constant 32768 : i32
    %add3A_254 = arith.addi %mul3A_4, %add3A_253 : i32
    %dma_start3A_255 = tpu.memref_slice %arg4[%add3A_254] : memref<1572864xf32, #tpu.memory_space<vmem_shared>> -> memref<32768xf32, #tpu.memory_space<vmem_shared>>
    %dma_start3A_256 = tpu.memref_slice %arg2[%add3A_252] : memref<16777216xf32, #tpu.memory_space<hbm>> -> memref<32768xf32, #tpu.memory_space<hbm>>
    tpu.enqueue_dma source(%dma_start3A_256 : memref<32768xf32, #tpu.memory_space<hbm>>) target(%dma_start3A_255 : memref<32768xf32, #tpu.memory_space<vmem_shared>>) target_semaphore(%arg6 : memref<!tpu.dma_semaphore, #tpu.memory_space<semaphore_mem>>)
    %dma_wait3A_257 = tpu.memref_slice %arg4[%add3A_234] : memref<1572864xf32, #tpu.memory_space<vmem_shared>> -> memref<32768xf32, #tpu.memory_space<vmem_shared>>
    %dma_wait3A_258 = tpu.memref_slice %arg2[%add3A_232] : memref<16777216xf32, #tpu.memory_space<hbm>> -> memref<32768xf32, #tpu.memory_space<hbm>>
    tpu.wait_dma2 semaphore(%arg5 : memref<!tpu.dma_semaphore, #tpu.memory_space<semaphore_mem>>) src(%dma_wait3A_258 : memref<32768xf32, #tpu.memory_space<hbm>>) dst(%dma_wait3A_257 : memref<32768xf32, #tpu.memory_space<vmem_shared>>)
    %add3A_259 = arith.constant 0 : i32
    %add3A_260 = arith.addi %mul3A_4, %add3A_259 : i32
    %add3A_261 = arith.constant 0 : i32
    %add3A_262 = arith.addi %add3A_261, %mul3A_2 : i32
    %add3A_263 = arith.constant 98304 : i32
    %add3A_264 = arith.addi %add3A_262, %add3A_263 : i32
    %dma_start3A_265 = tpu.memref_slice %arg3[%add3A_264] : memref<16777216xf32, #tpu.memory_space<hbm>> -> memref<32768xf32, #tpu.memory_space<hbm>>
    %dma_start3A_266 = tpu.memref_slice %arg4[%add3A_260] : memref<1572864xf32, #tpu.memory_space<vmem_shared>> -> memref<32768xf32, #tpu.memory_space<vmem_shared>>
    tpu.enqueue_dma source(%dma_start3A_266 : memref<32768xf32, #tpu.memory_space<vmem_shared>>) target(%dma_start3A_265 : memref<32768xf32, #tpu.memory_space<hbm>>) target_semaphore(%arg8 : memref<!tpu.dma_semaphore, #tpu.memory_space<semaphore_mem>>)
    %dma_wait3A_267 = tpu.memref_slice %arg3[%add3A_244] : memref<16777216xf32, #tpu.memory_space<hbm>> -> memref<32768xf32, #tpu.memory_space<hbm>>
    %dma_wait3A_268 = tpu.memref_slice %arg4[%add3A_240] : memref<1572864xf32, #tpu.memory_space<vmem_shared>> -> memref<32768xf32, #tpu.memory_space<vmem_shared>>
    tpu.wait_dma2 semaphore(%arg10 : memref<!tpu.dma_semaphore, #tpu.memory_space<semaphore_mem>>) src(%dma_wait3A_268 : memref<32768xf32, #tpu.memory_space<vmem_shared>>) dst(%dma_wait3A_267 : memref<32768xf32, #tpu.memory_space<hbm>>)
    %add3A_269 = arith.constant 8388608 : i32
    %add3A_270 = arith.addi %add3A_269, %mul3A_2 : i32
    %add3A_271 = arith.constant 98304 : i32
    %add3A_272 = arith.addi %add3A_270, %add3A_271 : i32
    %add3A_273 = arith.constant 65536 : i32
    %add3A_274 = arith.addi %mul3A_4, %add3A_273 : i32
    %dma_start3A_275 = tpu.memref_slice %arg4[%add3A_274] : memref<1572864xf32, #tpu.memory_space<vmem_shared>> -> memref<32768xf32, #tpu.memory_space<vmem_shared>>
    %dma_start3A_276 = tpu.memref_slice %arg2[%add3A_272] : memref<16777216xf32, #tpu.memory_space<hbm>> -> memref<32768xf32, #tpu.memory_space<hbm>>
    tpu.enqueue_dma source(%dma_start3A_276 : memref<32768xf32, #tpu.memory_space<hbm>>) target(%dma_start3A_275 : memref<32768xf32, #tpu.memory_space<vmem_shared>>) target_semaphore(%arg7 : memref<!tpu.dma_semaphore, #tpu.memory_space<semaphore_mem>>)
    %dma_wait3A_277 = tpu.memref_slice %arg4[%add3A_254] : memref<1572864xf32, #tpu.memory_space<vmem_shared>> -> memref<32768xf32, #tpu.memory_space<vmem_shared>>
    %dma_wait3A_278 = tpu.memref_slice %arg2[%add3A_252] : memref<16777216xf32, #tpu.memory_space<hbm>> -> memref<32768xf32, #tpu.memory_space<hbm>>
    tpu.wait_dma2 semaphore(%arg6 : memref<!tpu.dma_semaphore, #tpu.memory_space<semaphore_mem>>) src(%dma_wait3A_278 : memref<32768xf32, #tpu.memory_space<hbm>>) dst(%dma_wait3A_277 : memref<32768xf32, #tpu.memory_space<vmem_shared>>)
    %add3A_279 = arith.constant 32768 : i32
    %add3A_280 = arith.addi %mul3A_4, %add3A_279 : i32
    %add3A_281 = arith.constant 4194304 : i32
    %add3A_282 = arith.addi %add3A_281, %mul3A_2 : i32
    %add3A_283 = arith.constant 98304 : i32
    %add3A_284 = arith.addi %add3A_282, %add3A_283 : i32
    %dma_start3A_285 = tpu.memref_slice %arg3[%add3A_284] : memref<16777216xf32, #tpu.memory_space<hbm>> -> memref<32768xf32, #tpu.memory_space<hbm>>
    %dma_start3A_286 = tpu.memref_slice %arg4[%add3A_280] : memref<1572864xf32, #tpu.memory_space<vmem_shared>> -> memref<32768xf32, #tpu.memory_space<vmem_shared>>
    tpu.enqueue_dma source(%dma_start3A_286 : memref<32768xf32, #tpu.memory_space<vmem_shared>>) target(%dma_start3A_285 : memref<32768xf32, #tpu.memory_space<hbm>>) target_semaphore(%arg9 : memref<!tpu.dma_semaphore, #tpu.memory_space<semaphore_mem>>)
    %dma_wait3A_287 = tpu.memref_slice %arg3[%add3A_264] : memref<16777216xf32, #tpu.memory_space<hbm>> -> memref<32768xf32, #tpu.memory_space<hbm>>
    %dma_wait3A_288 = tpu.memref_slice %arg4[%add3A_260] : memref<1572864xf32, #tpu.memory_space<vmem_shared>> -> memref<32768xf32, #tpu.memory_space<vmem_shared>>
    tpu.wait_dma2 semaphore(%arg8 : memref<!tpu.dma_semaphore, #tpu.memory_space<semaphore_mem>>) src(%dma_wait3A_288 : memref<32768xf32, #tpu.memory_space<vmem_shared>>) dst(%dma_wait3A_287 : memref<32768xf32, #tpu.memory_space<hbm>>)
    %add3A_289 = arith.constant 12582912 : i32
    %add3A_290 = arith.addi %add3A_289, %mul3A_2 : i32
    %add3A_291 = arith.constant 98304 : i32
    %add3A_292 = arith.addi %add3A_290, %add3A_291 : i32
    %add3A_293 = arith.constant 0 : i32
    %add3A_294 = arith.addi %mul3A_4, %add3A_293 : i32
    %dma_start3A_295 = tpu.memref_slice %arg4[%add3A_294] : memref<1572864xf32, #tpu.memory_space<vmem_shared>> -> memref<32768xf32, #tpu.memory_space<vmem_shared>>
    %dma_start3A_296 = tpu.memref_slice %arg2[%add3A_292] : memref<16777216xf32, #tpu.memory_space<hbm>> -> memref<32768xf32, #tpu.memory_space<hbm>>
    tpu.enqueue_dma source(%dma_start3A_296 : memref<32768xf32, #tpu.memory_space<hbm>>) target(%dma_start3A_295 : memref<32768xf32, #tpu.memory_space<vmem_shared>>) target_semaphore(%arg5 : memref<!tpu.dma_semaphore, #tpu.memory_space<semaphore_mem>>)
    %dma_wait3A_297 = tpu.memref_slice %arg4[%add3A_274] : memref<1572864xf32, #tpu.memory_space<vmem_shared>> -> memref<32768xf32, #tpu.memory_space<vmem_shared>>
    %dma_wait3A_298 = tpu.memref_slice %arg2[%add3A_272] : memref<16777216xf32, #tpu.memory_space<hbm>> -> memref<32768xf32, #tpu.memory_space<hbm>>
    tpu.wait_dma2 semaphore(%arg7 : memref<!tpu.dma_semaphore, #tpu.memory_space<semaphore_mem>>) src(%dma_wait3A_298 : memref<32768xf32, #tpu.memory_space<hbm>>) dst(%dma_wait3A_297 : memref<32768xf32, #tpu.memory_space<vmem_shared>>)
    %add3A_299 = arith.constant 65536 : i32
    %add3A_300 = arith.addi %mul3A_4, %add3A_299 : i32
    %add3A_301 = arith.constant 8388608 : i32
    %add3A_302 = arith.addi %add3A_301, %mul3A_2 : i32
    %add3A_303 = arith.constant 98304 : i32
    %add3A_304 = arith.addi %add3A_302, %add3A_303 : i32
    %dma_start3A_305 = tpu.memref_slice %arg3[%add3A_304] : memref<16777216xf32, #tpu.memory_space<hbm>> -> memref<32768xf32, #tpu.memory_space<hbm>>
    %dma_start3A_306 = tpu.memref_slice %arg4[%add3A_300] : memref<1572864xf32, #tpu.memory_space<vmem_shared>> -> memref<32768xf32, #tpu.memory_space<vmem_shared>>
    tpu.enqueue_dma source(%dma_start3A_306 : memref<32768xf32, #tpu.memory_space<vmem_shared>>) target(%dma_start3A_305 : memref<32768xf32, #tpu.memory_space<hbm>>) target_semaphore(%arg10 : memref<!tpu.dma_semaphore, #tpu.memory_space<semaphore_mem>>)
    %dma_wait3A_307 = tpu.memref_slice %arg4[%add3A_294] : memref<1572864xf32, #tpu.memory_space<vmem_shared>> -> memref<32768xf32, #tpu.memory_space<vmem_shared>>
    %dma_wait3A_308 = tpu.memref_slice %arg2[%add3A_292] : memref<16777216xf32, #tpu.memory_space<hbm>> -> memref<32768xf32, #tpu.memory_space<hbm>>
    tpu.wait_dma2 semaphore(%arg5 : memref<!tpu.dma_semaphore, #tpu.memory_space<semaphore_mem>>) src(%dma_wait3A_308 : memref<32768xf32, #tpu.memory_space<hbm>>) dst(%dma_wait3A_307 : memref<32768xf32, #tpu.memory_space<vmem_shared>>)
    %add3A_309 = arith.constant 0 : i32
    %add3A_310 = arith.addi %mul3A_4, %add3A_309 : i32
    %add3A_311 = arith.constant 12582912 : i32
    %add3A_312 = arith.addi %add3A_311, %mul3A_2 : i32
    %add3A_313 = arith.constant 98304 : i32
    %add3A_314 = arith.addi %add3A_312, %add3A_313 : i32
    %dma_start3A_315 = tpu.memref_slice %arg3[%add3A_314] : memref<16777216xf32, #tpu.memory_space<hbm>> -> memref<32768xf32, #tpu.memory_space<hbm>>
    %dma_start3A_316 = tpu.memref_slice %arg4[%add3A_310] : memref<1572864xf32, #tpu.memory_space<vmem_shared>> -> memref<32768xf32, #tpu.memory_space<vmem_shared>>
    tpu.enqueue_dma source(%dma_start3A_316 : memref<32768xf32, #tpu.memory_space<vmem_shared>>) target(%dma_start3A_315 : memref<32768xf32, #tpu.memory_space<hbm>>) target_semaphore(%arg8 : memref<!tpu.dma_semaphore, #tpu.memory_space<semaphore_mem>>)
    %dma_wait3A_317 = tpu.memref_slice %arg3[%add3A_284] : memref<16777216xf32, #tpu.memory_space<hbm>> -> memref<32768xf32, #tpu.memory_space<hbm>>
    %dma_wait3A_318 = tpu.memref_slice %arg4[%add3A_280] : memref<1572864xf32, #tpu.memory_space<vmem_shared>> -> memref<32768xf32, #tpu.memory_space<vmem_shared>>
    tpu.wait_dma2 semaphore(%arg9 : memref<!tpu.dma_semaphore, #tpu.memory_space<semaphore_mem>>) src(%dma_wait3A_318 : memref<32768xf32, #tpu.memory_space<vmem_shared>>) dst(%dma_wait3A_317 : memref<32768xf32, #tpu.memory_space<hbm>>)
    %dma_wait3A_319 = tpu.memref_slice %arg3[%add3A_304] : memref<16777216xf32, #tpu.memory_space<hbm>> -> memref<32768xf32, #tpu.memory_space<hbm>>
    %dma_wait3A_320 = tpu.memref_slice %arg4[%add3A_300] : memref<1572864xf32, #tpu.memory_space<vmem_shared>> -> memref<32768xf32, #tpu.memory_space<vmem_shared>>
    tpu.wait_dma2 semaphore(%arg10 : memref<!tpu.dma_semaphore, #tpu.memory_space<semaphore_mem>>) src(%dma_wait3A_320 : memref<32768xf32, #tpu.memory_space<vmem_shared>>) dst(%dma_wait3A_319 : memref<32768xf32, #tpu.memory_space<hbm>>)
    %dma_wait3A_321 = tpu.memref_slice %arg3[%add3A_314] : memref<16777216xf32, #tpu.memory_space<hbm>> -> memref<32768xf32, #tpu.memory_space<hbm>>
    %dma_wait3A_322 = tpu.memref_slice %arg4[%add3A_310] : memref<1572864xf32, #tpu.memory_space<vmem_shared>> -> memref<32768xf32, #tpu.memory_space<vmem_shared>>
    tpu.wait_dma2 semaphore(%arg8 : memref<!tpu.dma_semaphore, #tpu.memory_space<semaphore_mem>>) src(%dma_wait3A_322 : memref<32768xf32, #tpu.memory_space<vmem_shared>>) dst(%dma_wait3A_321 : memref<32768xf32, #tpu.memory_space<hbm>>)
    return
  }
}

</mosaic_0001>

<sc_bundles>
// kernel: kernel.3.cloned.1.call-start
scs
__scs_entry_jumppad:
0x0: {  	(pc) =	sbr.rel $0x88, $3  }
0x1: {  	(tag) =	ssettag $0x0;
	lr =	simm.s32 $0x1  }
0x2: {  	[smem:$0x3FA0] =	sst lr;
	_ =	strace $0xD0000000  }
0x3: {  	_ = 	snop  }
0x4: {  	_ = 	snop  }
0x5: {  	_ = 	snop  }
0x6: {  	_ = 	snop  }
0x7: {  	_ = 	snop  }
__scs_overlays_trampoline_lowered:
0x8: {  	[smem:$0x3FAF] =	sst s0  }
0x9: {  	[smem:$0x3FB0] =	sst s1  }
0xa: {  	[smem:$0x3FB1] =	sst s2  }
0xb: {  	[smem:$0x3FB2] =	sst s3  }
0xc: {  	[smem:$0x3FB3] =	sst s4  }
0xd: {  	[smem:$0x3FB4] =	sst s5  }
0xe: {  	[smem:$0x3FB5] =	sst s6  }
0xf: {  	[smem:$0x3FB6] =	sst s7  }
0x10: {  	[smem:$0x3FB7] =	sst s8  }
0x11: {  	[smem:$0x3FB8] =	sst s9;
	s0 =	simm.s32 @!p0 $0x0  }
0x12: {  	s1 =	sld [smem:$0x3F9E];
	s0 =	simm.s32 @p0 $0x1  }
0x13: {  	[smem:$0x3FB9] =	sst s0;
	s0 =	simm.s32 @!p1 $0x0  }
0x14: {  	s2 =	sld [smem:$0x3F9D];
	s0 =	simm.s32 @p1 $0x1  }
0x15: {  	[smem:$0x3FBA] =	sst s0;
	s0 =	simm.s32 @!p2 $0x0  }
0x16: {  	s3 =	sld [smem:$0x3FDB];
	s0 =	simm.s32 @p2 $0x1  }
0x17: {  	s4 =	simm.s32 $0x1BF5;
	[smem:$0x3FBC] =	sst s0  }
0x18: {  	s0 =	sld [smem:$0x3F9F];
	_ =	swait.ge [sflag:s4], $0x0  }
0x19: {  	s7 =	sld [smem:$0x3FA0]  }
0x1a: {  	s8 =	sadd.s32 $0xFFFFE003, lr  }
0x1b: {  	s9 =	sadd.s32 $0xFFFFFEF7, lr;
	s5 =	simm.s32 $0xFFFFFFFF;
	p2 =	slt.u32 s8, $0xFFFFF086  }
0x1c: {  	p1 =	slt.u32 s9, $0xF7A;
	s5 =	simm.s32 @!p2 $0x0  }
0x1d: {  	s5 =	simm.s32 @p1 $0x1;
	p0 =	seq.s32 s7, s2  }
0x1e: {  	s7 =	smul.u32 @!p0 $0xF7A, s2;
	p2 =	seq.s32 @!p0 s5, $0x0  }
0x1f: {  	s9 =	smul.u32 $0xF7A, s1;
	s8 =	simm.s32 @!p0 $0x1BF5;
	p2 =	por !p2, p0  }
0x20: {  	[sflag:s8] =	ssyncset.s32 @!p0 $0xFFFFF086;
	s6 =	sadd.s32 @!p0 s3, s7;
	s7 =	simm.s32 @!p0 $0x108  }
0x21: {  	s3 =	sadd.s32 s3, s9;
	s6 =	sadd.s32 @!p0 $0x88, s6;
	s7 =	simm.s32 @p2 $0x1082  }
0x22: {  	[simem:s7], [sflag:s8] =	dma.local @!p0 [hbm:s6], $0xF7A  }
0x23: {  	s9 =	sor.u32 $0xD0000000, s2;
	s6 =	simm.s32 $0x108;
	_ =	swait.ge @!p0 [sflag:s8], $0x0  }
0x24: {  	s3 =	sadd.s32 $0x88, s3;
	s6 =	simm.s32 @!p1 $0x1082;
	[sflag:s4] =	ssyncset.s32 $0xFFFFF086  }
0x25: {  	[simem:s6], [sflag:s4] =	dma.local [hbm:s3], $0xF7A  }
0x26: {  	[smem:$0x3FA0] =	sst s1;
	(tag) =	ssettag s2;
	_ =	strace s9  }
0x27: {  	s1 =	sld [smem:$0x3FB0]  }
0x28: {  	s2 =	sld [smem:$0x3FB1]  }
0x29: {  	s4 =	sld [smem:$0x3FB3]  }
0x2a: {  	p0 =	seq.s32 s5, $0x0;
	s5 =	sld [smem:$0x3FB4]  }
0x2b: {  	s6 =	sld [smem:$0x3FB5]  }
0x2c: {  	s7 =	sld [smem:$0x3FB6]  }
0x2d: {  	s3 =	simm.s32 $0x108;
	s8 =	sld [smem:$0x3FB7]  }
0x2e: {  	s3 =	simm.s32 @!p0 $0x1082;
	s9 =	sld [smem:$0x3FB8]  }
0x2f: {  	lr =	sadd.s32 s0, s3;
	s0 =	sld [smem:$0x3FAF]  }
0x30: {  	s3 =	sld [smem:$0x3FB2]  }
0x31: {  	[smem:$0x3FBB] =	sst s10  }
0x32: {  	s10 =	sld [smem:$0x3FB9];
	_ =	sdelay $0x3  }
0x33: {  	p0 =	seq.s32 s10, $0x1;
	s10 =	sld [smem:$0x3FBB];
	_ =	sdelay $0x3  }
0x34: {  	[smem:$0x3FBB] =	sst s10  }
0x35: {  	s10 =	sld [smem:$0x3FBA];
	_ =	sdelay $0x3  }
0x36: {  	p1 =	seq.s32 s10, $0x1;
	s10 =	sld [smem:$0x3FBB];
	_ =	sdelay $0x3  }
0x37: {  	[smem:$0x3FBB] =	sst s10  }
0x38: {  	s10 =	sld [smem:$0x3FBC]  }
0x39: {  	_ = 	snop;
	(pc) =	sbr.ind lr, $3  }
0x3a: {  	_ = 	snop  }
0x3b: {  	_ = 	snop  }
0x3c: {  	p2 =	seq.s32 s10, $0x1;
	s10 =	sld [smem:$0x3FBB]  }
0x3d: {  	_ =	shalt  }
0x3e: {  	_ =	shalt  }
0x3f: {  	_ =	shalt  }
0x40: {  	_ =	shalt  }
0x41: {  	_ =	shalt  }
0x42: {  	_ =	shalt  }
0x43: {  	_ =	shalt  }
0x44: {  	_ =	shalt  }
0x45: {  	_ =	shalt  }
0x46: {  	_ =	shalt  }
0x47: {  	_ =	shalt  }
0x48: {  	_ =	shalt  }
0x49: {  	_ =	shalt  }
0x4a: {  	_ =	shalt  }
0x4b: {  	_ =	shalt  }
0x4c: {  	_ =	shalt  }
0x4d: {  	_ =	shalt  }
0x4e: {  	_ =	shalt  }
0x4f: {  	_ =	shalt  }
0x50: {  	_ =	shalt  }
0x51: {  	_ =	shalt  }
0x52: {  	_ =	shalt  }
0x53: {  	_ =	shalt  }
0x54: {  	_ =	shalt  }
0x55: {  	_ =	shalt  }
0x56: {  	_ =	shalt  }
0x57: {  	_ =	shalt  }
0x58: {  	_ =	shalt  }
0x59: {  	_ =	shalt  }
0x5a: {  	_ =	shalt  }
0x5b: {  	_ =	shalt  }
0x5c: {  	_ =	shalt  }
0x5d: {  	_ =	shalt  }
0x5e: {  	_ =	shalt  }
0x5f: {  	_ =	shalt  }
0x60: {  	_ =	shalt  }
0x61: {  	_ =	shalt  }
0x62: {  	_ =	shalt  }
0x63: {  	_ =	shalt  }
0x64: {  	_ =	shalt  }
0x65: {  	_ =	shalt  }
0x66: {  	_ =	shalt  }
0x67: {  	_ =	shalt  }
0x68: {  	_ =	shalt  }
0x69: {  	_ =	shalt  }
0x6a: {  	_ =	shalt  }
0x6b: {  	_ =	shalt  }
0x6c: {  	_ =	shalt  }
0x6d: {  	_ =	shalt  }
0x6e: {  	_ =	shalt  }
0x6f: {  	_ =	shalt  }
0x70: {  	_ =	shalt  }
0x71: {  	_ =	shalt  }
0x72: {  	_ =	shalt  }
0x73: {  	_ =	shalt  }
0x74: {  	_ =	shalt  }
0x75: {  	_ =	shalt  }
0x76: {  	_ =	shalt  }
0x77: {  	_ =	shalt  }
0x78: {  	_ =	shalt  }
0x79: {  	_ =	shalt  }
0x7a: {  	_ =	shalt  }
0x7b: {  	_ =	shalt  }
0x7c: {  	_ =	shalt  }
0x7d: {  	_ =	shalt  }
0x7e: {  	_ =	shalt  }
0x7f: {  	_ =	shalt  }
0x80: {  	_ =	shalt  }
0x81: {  	_ =	shalt  }
0x82: {  	_ =	shalt  }
0x83: {  	_ =	shalt  }
0x84: {  	_ =	shalt  }
0x85: {  	_ =	shalt  }
0x86: {  	_ =	shalt  }
0x87: {  	_ =	shalt  }
.Lfunc_end0:
.L_simem_size_0:
called_computation.1_lowered:
.L_overlay_start_0:
0x88: {  	s2 =	sld [smem:$0x3FD9]  }
0x89: {  	s3 =	sld [smem:$0x3FFE];
	_ =	sdelay $0x1  }
0x8a: {  	s1 =	srdreg.scid  }
0x8b: {  	s0 =	sand.u32 $0x1, s1  }
0x8c: {  	s17 =	sshll.u32 s0, $0xA;
	s2 =	sadd.s32 s3, s2  }
0x8d: {  	s2 =	sadd.s32 s2, s17  }
0x8e: {  	[smem:$0x3FC7] =	sst s2  }
0x8f: {  	_ = 	snop  }
0x90: {  	s2 =	sld [smem:$0x3FD0];
	(tm) =	ssettm $0x1  }
0x91: {  	s18 =	sld [smem:$0x3FFB];
	_ =	sdelay $0x3  }
0x92: {  	_ =	strace s18  }
0x93: {  	s3 =	sld [smem:$0x3FFC];
	_ =	sdelay $0x3  }
0x94: {  	_ =	strace s3  }
0x95: {  	s3 =	sld [smem:$0x3FFD];
	_ =	sdelay $0x3  }
0x96: {  	_ =	strace s3  }
0x97: {  	_ =	strace $0x8FFFFFFF  }
0x98: {  	s19 =	sld [smem:$0x3FDB];
	_ =	sdelay $0x1  }
0x99: {  	s4 =	simm.s32 $_scs_section_size  }
0x9a: {  	s5 =	simm.s32 $_size__tile_overlayer_lowered;
	s6 =	simm.s32 $_tile_overlayer_lowered  }
0x9b: {  	s22 =	simm.s32 $0x1BFF;
	s21 =	sshll.u32 s6, $0x1;
	s3 =	sadd.s32 s4, s19  }
0x9c: {  	s7 =	simm.s32 $0x0;
	s20 =	sshll.u32 s5, $0x1;
	s5 =	sadd.s32 s21, s3  }
0x9d: {  	[timem:s7], [sflag:s22] =	dma.local [hbm:s5], s20  }
0x9e: {  	_ =	swait.ge [sflag:s22], s20  }
0x9f: {  	s4 =	ssub.s32 $0x0, s20;
	[sflag:s22] =	ssyncset.done $0x0  }
0xa0: {  	[sflag:s22] =	ssyncadd.s32 s4;
	_ =	sdelay $0x1  }
0xa1: {  	s23 =	simm.s32 $0x1B8B  }
0xa2: {  	_ =	swait.ge [sflag:s23], $0x1  }
0xa3: {  	[sflag:s23] =	ssyncset.done $0x0  }
0xa4: {  	s25 =	simm.s32 $0x1B8E;
	s24 =	sld [smem:$0x3FFE];
	[sflag:s23] =	ssyncadd.s32 $0xFFFFFFFF  }
0xa5: {  	s26 =	simm.s32 $execute0_lowered;
	[smem:$0x3FD2] =	sst s25  }
0xa6: {  	s5 =	sshll.u32 s26, $0x1;
	_ =	strace $0x80000049;
	[dreg:$0x1] =	wrdreg $0xFFFFFFFF  }
0xa7: {  	s28 =	simm.s32 $_size_execute0_lowered;
	s3 =	sadd.s32 s3, s5;
	[dreg:$0x0] =	wrdreg $0x0  }
0xa8: {  	s5 =	sshll.u32 s28, $0x1;
	[dreg:$0x2] =	wrdreg s3  }
0xa9: {  	[dreg:$0x3] =	wrdreg s5  }
0xaa: {  	[dreg:$0x4] =	wrdreg $0xC0  }
0xab: {  	_ =	task [dreg:s7], $0x5FFFF  }
0xac: {  	[dreg:$0x1] =	wrdreg $0xFFFFFFFF  }
0xad: {  	[dreg:$0x0] =	wrdreg $0x60  }
0xae: {  	[dreg:$0x2] =	wrdreg s2  }
0xaf: {  	[dreg:$0x3] =	wrdreg s24  }
0xb0: {  	[dreg:$0x4] =	wrdreg $0x0  }
0xb1: {  	[dreg:$0x5] =	wrdreg $0x9  }
0xb2: {  	_ =	task.clear_ibuf [dreg:s7], $0x6FFFF;
	_ =	strace $0x90000049  }
0xb3: {  	s29 =	simm.s32 $0x9;
	_ =	strace $0x8000004B  }
0xb4: {  	_ =	swait.ge [sflag:s29], $0x1  }
0xb5: {  	[sflag:s29] =	ssyncadd.s32 $0xFFFFFFFF  }
0xb6: {  	_ =	strace $0x9000004B  }
0xb7: {  	_ =	sfence  }
0xb8: {  	s30 =	sld [smem:$0x0];
	_ =	sdelay $0x2  }
0xb9: {  	s31 =	sshll.u32 s1, $0xD;
	s1 =	sshrl.u32 s1, $0x2  }
0xba: {  	s3 =	sand.u32 $0x4000, s31;
	s1 =	sadd.s32 s1, s30  }
0xbb: {  	s0 =	sor.u32 s3, s0;
	s1 =	sshll.u32 s1, $0x11  }
0xbc: {  	s0 =	sor.u32 s1, s0  }
0xbd: {  	s0 =	sadd.s32 $0x8F2B, s0  }
0xbe: {  	[sflag:s0] =	ssyncadd.remote.s32 $0x1  }
0xbf: {  	_ =	sfence.sel $0xFFFF  }
0xc0: {  	[dreg:$0x0] =	wrdreg $0xFFFFFFFF;
	(pc) =	sbr.abs _section_cstart, $3  }
0xc1: {  	[dreg:$0x1] =	wrdreg $0xFFFFFFFF  }
0xc2: {  	_ =	task.clear_ibuf [dreg:s7], $0x2FFFF;
	_ =	strace $0x9FFFFFFF  }
0xc3: {  	(tm) =	ssettm $0x7FFFFFFF  }
tec
execute0_lowered:
.L_overlay_start_1:
0x0: {  	(tag) =	ssettag $0x1  }
0x1: {  	s0 =	rddreg [dreg:$0x0]  }
0x2: {  	s1 =	rddreg [dreg:$0x1]  }
0x3: {  	s2 =	rddreg [dreg:$0x2]  }
0x4: {  	s30 =	rddreg [dreg:$0x3];
	s3 =	srdreg.scid;
	s4 =	simm.s32 $0x0  }
0x5: {  	s31 =	stileid.u32;
	p0 =	por $0x0, $0x0;
	s5 =	sand.u32 $0x1, s3  }
0x6: {  	[smem:$0x7FF] =	sst s4;
	s23 =	sshll.u32 s31, $0xF;
	s3 =	sadd.s32 $0x800, s1  }
0x7: {  	s12 =	smul.u32 $0x60000, s31;
	s6 =	sshll.u32 s5, $0xE;
	s24 =	ssub.s32 $0x2, s5  }
0x8: {  	_ =	strace $0x8000004A;
	s4 =	sor.u32 s6, s23;
	s26 =	sshrl.u32 s24, $0x1  }
0x9: {  	s25 =	sadd.s32 s0, s4;
	s7 =	sor.u32 $0x80000, s4;
	s29 =	sadd.s32 s3, s4  }
0xa: {  	s8 =	sor.u32 $0x100000, s4;
	s6 =	ssub.s32 s24, s26;
	[dreg:$0x4] =	wrdreg s25  }
0xb: {  	s11 =	sor.u32 $0x180000, s4;
	s28 =	sadd.s32 s0, s7;
	[dreg:$0x6] =	wrdreg s29  }
0xc: {  	s15 =	sor.u32 $0x1000, s4;
	s9 =	sadd.s32 s0, s8;
	[dreg:$0x5] =	wrdreg s28  }
0xd: {  	s18 =	sor.u32 $0x81000, s4;
	s10 =	sadd.s32 s3, s7;
	[dreg:$0x7] =	wrdreg s9  }
0xe: {  	s21 =	sor.u32 $0x101000, s4;
	s13 =	sadd.s32 s0, s11;
	[dreg:$0x8] =	wrdreg s10  }
0xf: {  	s24 =	sor.u32 $0x181000, s4;
	s14 =	sadd.s32 s3, s8;
	[dreg:$0x9] =	wrdreg s13  }
0x10: {  	s7 =	sshrl.u32 s12, $0x2;
	s16 =	sadd.s32 s0, s15;
	[dreg:$0xa] =	wrdreg s14  }
0x11: {  	s17 =	sadd.s32 s3, s11;
	s19 =	sadd.s32 s0, s18;
	[dreg:$0xb] =	wrdreg s16  }
0x12: {  	s20 =	sadd.s32 s3, s15;
	s25 =	sshll.u32 s31, $0x6;
	[dreg:$0xc] =	wrdreg s17  }
0x13: {  	s22 =	sadd.s32 s0, s21;
	s23 =	sadd.s32 s3, s18;
	[dreg:$0xd] =	wrdreg s19  }
0x14: {  	s26 =	sadd.s32 s0, s24;
	s29 =	sor.u32 $0x2000, s4;
	[dreg:$0xe] =	wrdreg s20  }
0x15: {  	s11 =	sadd.s32 s3, s24;
	s12 =	sor.u32 $0x82000, s4;
	[dreg:$0xf] =	wrdreg s22  }
0x16: {  	s18 =	sor.u32 $0x3000, s4;
	s9 =	sadd.s32 s7, s2;
	[dreg:$0x10] =	wrdreg s23  }
0x17: {  	s2 =	sor.u32 $0x1C01, s25;
	[dreg:$0x11] =	wrdreg s26;
	s28 =	sadd.s32 s3, s21  }
0x18: {  	s8 =	sadd.s32 s0, s29;
	[dreg:$0x14] =	wrdreg s11;
	s14 =	sadd.s32 s0, s12  }
0x19: {  	s15 =	sadd.s32 s3, s29;
	s16 =	sor.u32 $0x102000, s4;
	s17 =	sor.u32 $0x182000, s4  }
0x1a: {  	s23 =	sadd.s32 s3, s12;
	s20 =	sadd.s32 s0, s18;
	s1 =	rddreg [dreg:$0x4]  }
0x1b: {  	s26 =	sor.u32 $0x83000, s4;
	s29 =	smax.u32 s6, $0x1;
	[dreg:$0x12] =	wrdreg s28  }
0x1c: {  	s6 =	simm.s32 $0x1;
	s7 =	simm.s32 $0x5;
	[dreg:$0x13] =	wrdreg s8  }
0x1d: {  	s10 =	sadd.s32 $0x8000, s9;
	s13 =	sadd.s32 $0x10000, s9;
	[dreg:$0x15] =	wrdreg s14  }
0x1e: {  	[dreg:$0x16] =	wrdreg s15;
	s24 =	sadd.s32 s0, s16;
	s22 =	sadd.s32 s0, s17  }
0x1f: {  	s21 =	sadd.s32 s3, s16;
	s19 =	sadd.s32 s3, s17;
	s17 =	sadd.s32 s0, s26  }
0x20: {  	s28 =	sor.u32 $0x103000, s4;
	s15 =	sadd.s32 s3, s18;
	p1 =	sne.s32 s29, $0x1  }
.Ltmp0:
0x21: {  	s4 =	sor.u32 $0x183000, s4;
	s11 =	sadd.s32 s3, s26;
	(pc) =	sbr.rel @!p1 .LBB2_5-.Ltmp0, $4  }
0x22: {  	s18 =	simm.s32 $0x2;
	s14 =	sshrl.u32 s9, $0x3;
	s9 =	simm.s32 $0x6  }
0x23: {  	s12 =	sadd.s32 s0, s28;
	s8 =	sadd.s32 s0, s4;
	s5 =	sadd.s32 s3, s28  }
0x24: {  	s4 =	sadd.s32 s3, s4;
	s16 =	sshrl.u32 s10, $0x3;
	s10 =	sshrl.u32 s13, $0x3  }
0x25: {  	s3 =	simm.s32 $0x4;
	s13 =	simm.s32 $0x3;
	s0 =	sadd.s32 $0xFFFFFFFF, s29  }
0x26: {  	[spmem:s14], [sflag:s2] =	dma.local [hbm:s1], $0x1000  }
0x27: {  	s26 =	sor.u32 $0x1C02, s25;
	s1 =	rddreg [dreg:$0x5]  }
0x28: {  	[spmem:s16], [sflag:s26] =	dma.local [hbm:s1], $0x1000  }
0x29: {  	_ =	swait.ge [sflag:s6], $0x1000  }
0x2a: {  	[sflag:s6] =	ssyncset.done $0x0  }
0x2b: {  	s28 =	sor.u32 $0x1C04, s25;
	s1 =	rddreg [dreg:$0x6];
	[sflag:s6] =	ssyncadd.s32 $0xFFFFF000  }
0x2c: {  	[hbm:s1], [sflag:s28] =	dma.local [spmem:s14], $0x1000  }
0x2d: {  	s29 =	sor.u32 $0x1C03, s25;
	s1 =	rddreg [dreg:$0x7]  }
0x2e: {  	[spmem:s10], [sflag:s29] =	dma.local [hbm:s1], $0x1000  }
0x2f: {  	_ =	swait.ge [sflag:s18], $0x1000  }
0x30: {  	[sflag:s18] =	ssyncset.done $0x0  }
0x31: {  	s30 =	sor.u32 $0x1C05, s25;
	s1 =	rddreg [dreg:$0x8];
	[sflag:s18] =	ssyncadd.s32 $0xFFFFF000  }
0x32: {  	[hbm:s1], [sflag:s30] =	dma.local [spmem:s16], $0x1000  }
0x33: {  	_ =	swait.ge [sflag:s3], $0x1000  }
0x34: {  	[sflag:s3] =	ssyncset.done $0x0  }
0x35: {  	s1 =	rddreg [dreg:$0x9];
	[sflag:s3] =	ssyncadd.s32 $0xFFFFF000  }
0x36: {  	[spmem:s14], [sflag:s2] =	dma.local [hbm:s1], $0x1000  }
0x37: {  	_ =	swait.ge [sflag:s13], $0x1000  }
0x38: {  	[sflag:s13] =	ssyncset.done $0x0  }
0x39: {  	s31 =	sor.u32 $0x1C06, s25;
	s1 =	rddreg [dreg:$0xa];
	[sflag:s13] =	ssyncadd.s32 $0xFFFFF000  }
0x3a: {  	[hbm:s1], [sflag:s31] =	dma.local [spmem:s10], $0x1000  }
0x3b: {  	_ =	swait.ge [sflag:s7], $0x1000  }
0x3c: {  	[sflag:s7] =	ssyncset.done $0x0  }
0x3d: {  	s1 =	rddreg [dreg:$0xb];
	[sflag:s7] =	ssyncadd.s32 $0xFFFFF000  }
0x3e: {  	[spmem:s16], [sflag:s26] =	dma.local [hbm:s1], $0x1000  }
0x3f: {  	_ =	swait.ge [sflag:s6], $0x1000  }
0x40: {  	[sflag:s6] =	ssyncset.done $0x0  }
0x41: {  	s1 =	rddreg [dreg:$0xc];
	[sflag:s6] =	ssyncadd.s32 $0xFFFFF000  }
0x42: {  	[hbm:s1], [sflag:s28] =	dma.local [spmem:s14], $0x1000  }
0x43: {  	_ =	swait.ge [sflag:s9], $0x1000  }
0x44: {  	[sflag:s9] =	ssyncset.done $0x0  }
0x45: {  	s1 =	rddreg [dreg:$0xd];
	[sflag:s9] =	ssyncadd.s32 $0xFFFFF000  }
0x46: {  	[spmem:s10], [sflag:s29] =	dma.local [hbm:s1], $0x1000  }
0x47: {  	_ =	swait.ge [sflag:s18], $0x1000  }
0x48: {  	[sflag:s18] =	ssyncset.done $0x0  }
0x49: {  	s1 =	rddreg [dreg:$0xe];
	[sflag:s18] =	ssyncadd.s32 $0xFFFFF000  }
0x4a: {  	[hbm:s1], [sflag:s30] =	dma.local [spmem:s16], $0x1000  }
0x4b: {  	_ =	swait.ge [sflag:s3], $0x1000  }
0x4c: {  	[sflag:s3] =	ssyncset.done $0x0  }
0x4d: {  	s1 =	rddreg [dreg:$0xf];
	[sflag:s3] =	ssyncadd.s32 $0xFFFFF000  }
0x4e: {  	[spmem:s14], [sflag:s2] =	dma.local [hbm:s1], $0x1000  }
0x4f: {  	_ =	swait.ge [sflag:s13], $0x1000  }
0x50: {  	[sflag:s13] =	ssyncset.done $0x0  }
0x51: {  	s1 =	rddreg [dreg:$0x10];
	[sflag:s13] =	ssyncadd.s32 $0xFFFFF000  }
0x52: {  	[hbm:s1], [sflag:s31] =	dma.local [spmem:s10], $0x1000  }
0x53: {  	_ =	swait.ge [sflag:s7], $0x1000  }
0x54: {  	[sflag:s7] =	ssyncset.done $0x0  }
0x55: {  	s1 =	rddreg [dreg:$0x11];
	[sflag:s7] =	ssyncadd.s32 $0xFFFFF000  }
0x56: {  	[spmem:s16], [sflag:s26] =	dma.local [hbm:s1], $0x1000  }
0x57: {  	_ =	swait.ge [sflag:s6], $0x1000  }
0x58: {  	[sflag:s6] =	ssyncset.done $0x0  }
0x59: {  	s1 =	rddreg [dreg:$0x12];
	[sflag:s6] =	ssyncadd.s32 $0xFFFFF000  }
0x5a: {  	[hbm:s1], [sflag:s28] =	dma.local [spmem:s14], $0x1000  }
0x5b: {  	_ =	swait.ge [sflag:s9], $0x1000  }
0x5c: {  	[sflag:s9] =	ssyncset.done $0x0  }
0x5d: {  	s1 =	rddreg [dreg:$0x13];
	[sflag:s9] =	ssyncadd.s32 $0xFFFFF000  }
0x5e: {  	[spmem:s10], [sflag:s29] =	dma.local [hbm:s1], $0x1000  }
0x5f: {  	_ =	swait.ge [sflag:s18], $0x1000  }
0x60: {  	[sflag:s18] =	ssyncset.done $0x0  }
0x61: {  	s1 =	rddreg [dreg:$0x14];
	[sflag:s18] =	ssyncadd.s32 $0xFFFFF000  }
0x62: {  	[hbm:s1], [sflag:s30] =	dma.local [spmem:s16], $0x1000  }
0x63: {  	_ =	swait.ge [sflag:s3], $0x1000  }
0x64: {  	[sflag:s3] =	ssyncset.done $0x0  }
0x65: {  	s1 =	rddreg [dreg:$0x15];
	[sflag:s3] =	ssyncadd.s32 $0xFFFFF000  }
0x66: {  	[spmem:s14], [sflag:s2] =	dma.local [hbm:s1], $0x1000  }
0x67: {  	_ =	swait.ge [sflag:s13], $0x1000  }
0x68: {  	[sflag:s13] =	ssyncset.done $0x0  }
0x69: {  	s1 =	rddreg [dreg:$0x16];
	[sflag:s13] =	ssyncadd.s32 $0xFFFFF000  }
0x6a: {  	[hbm:s1], [sflag:s31] =	dma.local [spmem:s10], $0x1000  }
0x6b: {  	_ =	swait.ge [sflag:s7], $0x1000  }
0x6c: {  	[sflag:s7] =	ssyncset.done $0x0  }
0x6d: {  	[sflag:s7] =	ssyncadd.s32 $0xFFFFF000  }
0x6e: {  	[spmem:s16], [sflag:s26] =	dma.local [hbm:s24], $0x1000  }
0x6f: {  	_ =	swait.ge [sflag:s6], $0x1000  }
0x70: {  	[sflag:s6] =	ssyncset.done $0x0  }
0x71: {  	[sflag:s6] =	ssyncadd.s32 $0xFFFFF000  }
0x72: {  	[hbm:s23], [sflag:s28] =	dma.local [spmem:s14], $0x1000  }
0x73: {  	_ =	swait.ge [sflag:s9], $0x1000  }
0x74: {  	[sflag:s9] =	ssyncset.done $0x0  }
0x75: {  	[sflag:s9] =	ssyncadd.s32 $0xFFFFF000  }
0x76: {  	[spmem:s10], [sflag:s29] =	dma.local [hbm:s22], $0x1000  }
0x77: {  	_ =	swait.ge [sflag:s18], $0x1000  }
0x78: {  	[sflag:s18] =	ssyncset.done $0x0  }
0x79: {  	[sflag:s18] =	ssyncadd.s32 $0xFFFFF000  }
0x7a: {  	[hbm:s21], [sflag:s30] =	dma.local [spmem:s16], $0x1000  }
0x7b: {  	_ =	swait.ge [sflag:s3], $0x1000  }
0x7c: {  	[sflag:s3] =	ssyncset.done $0x0  }
0x7d: {  	[sflag:s3] =	ssyncadd.s32 $0xFFFFF000  }
0x7e: {  	[spmem:s14], [sflag:s2] =	dma.local [hbm:s20], $0x1000  }
0x7f: {  	_ =	swait.ge [sflag:s13], $0x1000  }
0x80: {  	[sflag:s13] =	ssyncset.done $0x0  }
0x81: {  	[sflag:s13] =	ssyncadd.s32 $0xFFFFF000  }
0x82: {  	[hbm:s19], [sflag:s31] =	dma.local [spmem:s10], $0x1000  }
0x83: {  	_ =	swait.ge [sflag:s7], $0x1000  }
0x84: {  	[sflag:s7] =	ssyncset.done $0x0  }
0x85: {  	[sflag:s7] =	ssyncadd.s32 $0xFFFFF000  }
0x86: {  	[spmem:s16], [sflag:s26] =	dma.local [hbm:s17], $0x1000  }
0x87: {  	_ =	swait.ge [sflag:s6], $0x1000  }
0x88: {  	[sflag:s6] =	ssyncset.done $0x0  }
0x89: {  	[sflag:s6] =	ssyncadd.s32 $0xFFFFF000  }
0x8a: {  	[hbm:s15], [sflag:s28] =	dma.local [spmem:s14], $0x1000  }
0x8b: {  	_ =	swait.ge [sflag:s9], $0x1000  }
0x8c: {  	[sflag:s9] =	ssyncset.done $0x0  }
0x8d: {  	[sflag:s9] =	ssyncadd.s32 $0xFFFFF000  }
0x8e: {  	[spmem:s10], [sflag:s29] =	dma.local [hbm:s12], $0x1000  }
0x8f: {  	_ =	swait.ge [sflag:s18], $0x1000  }
0x90: {  	[sflag:s18] =	ssyncset.done $0x0  }
0x91: {  	[sflag:s18] =	ssyncadd.s32 $0xFFFFF000  }
0x92: {  	[hbm:s11], [sflag:s30] =	dma.local [spmem:s16], $0x1000  }
0x93: {  	_ =	swait.ge [sflag:s3], $0x1000  }
0x94: {  	[sflag:s3] =	ssyncset.done $0x0  }
0x95: {  	[sflag:s3] =	ssyncadd.s32 $0xFFFFF000  }
0x96: {  	[spmem:s14], [sflag:s2] =	dma.local [hbm:s8], $0x1000  }
0x97: {  	_ =	swait.ge [sflag:s13], $0x1000  }
0x98: {  	[sflag:s13] =	ssyncset.done $0x0  }
0x99: {  	[sflag:s13] =	ssyncadd.s32 $0xFFFFF000  }
0x9a: {  	[hbm:s5], [sflag:s31] =	dma.local [spmem:s10], $0x1000  }
0x9b: {  	_ =	swait.ge [sflag:s6], $0x1000  }
0x9c: {  	[sflag:s6] =	ssyncset.done $0x0  }
0x9d: {  	[sflag:s6] =	ssyncadd.s32 $0xFFFFF000  }
0x9e: {  	[hbm:s4], [sflag:s28] =	dma.local [spmem:s14], $0x1000  }
0x9f: {  	_ =	swait.ge [sflag:s7], $0x1000  }
0xa0: {  	[sflag:s7] =	ssyncset.done $0x0  }
0xa1: {  	p1 =	sne.s32 s0, $0x1;
	[sflag:s7] =	ssyncadd.s32 $0xFFFFF000  }
.Ltmp1:
0xa2: {  	_ =	swait.ge [sflag:s9], $0x1000;
	(pc) =	sbr.rel @!p1 .LBB2_2-.Ltmp1, $4  }
0xa3: {  	[sflag:s9] =	ssyncset.done $0x0  }
0xa4: {  	[sflag:s9] =	ssyncadd.s32 $0xFFFFF000  }
0xa5: {  	s0 =	sadd.s32 $0xFFFFFFFF, s0;
	_ =	swait.ge [sflag:s3], $0x1000  }
0xa6: {  	p0 =	por $0x1, $0x1;
	s1 =	rddreg [dreg:$0x4];
	[sflag:s3] =	ssyncset.done $0x0  }
.LBB2_3:
0xa7: {  	[sflag:s3] =	ssyncadd.s32 $0xFFFFF000  }
0xa8: {  	[spmem:s14], [sflag:s2] =	dma.local [hbm:s1], $0x1000  }
0xa9: {  	s1 =	rddreg [dreg:$0x5]  }
0xaa: {  	[spmem:s16], [sflag:s26] =	dma.local [hbm:s1], $0x1000  }
0xab: {  	_ =	swait.ge [sflag:s6], $0x1000  }
0xac: {  	[sflag:s6] =	ssyncset.done $0x0  }
0xad: {  	s1 =	rddreg [dreg:$0x6];
	[sflag:s6] =	ssyncadd.s32 $0xFFFFF000  }
0xae: {  	[hbm:s1], [sflag:s28] =	dma.local [spmem:s14], $0x1000  }
0xaf: {  	s1 =	rddreg [dreg:$0x7]  }
0xb0: {  	[spmem:s10], [sflag:s29] =	dma.local [hbm:s1], $0x1000  }
0xb1: {  	_ =	swait.ge [sflag:s18], $0x1000  }
0xb2: {  	[sflag:s18] =	ssyncset.done $0x0  }
0xb3: {  	s1 =	rddreg [dreg:$0x8];
	[sflag:s18] =	ssyncadd.s32 $0xFFFFF000  }
0xb4: {  	[hbm:s1], [sflag:s30] =	dma.local [spmem:s16], $0x1000  }
0xb5: {  	_ =	swait.ge [sflag:s3], $0x1000  }
0xb6: {  	[sflag:s3] =	ssyncset.done $0x0  }
0xb7: {  	s1 =	rddreg [dreg:$0x9];
	[sflag:s3] =	ssyncadd.s32 $0xFFFFF000  }
0xb8: {  	[spmem:s14], [sflag:s2] =	dma.local [hbm:s1], $0x1000  }
0xb9: {  	_ =	swait.ge [sflag:s13], $0x1000  }
0xba: {  	[sflag:s13] =	ssyncset.done $0x0  }
0xbb: {  	s1 =	rddreg [dreg:$0xa];
	[sflag:s13] =	ssyncadd.s32 $0xFFFFF000  }
0xbc: {  	[hbm:s1], [sflag:s31] =	dma.local [spmem:s10], $0x1000  }
0xbd: {  	_ =	swait.ge [sflag:s7], $0x1000  }
0xbe: {  	[sflag:s7] =	ssyncset.done $0x0  }
0xbf: {  	s1 =	rddreg [dreg:$0xb];
	[sflag:s7] =	ssyncadd.s32 $0xFFFFF000  }
0xc0: {  	[spmem:s16], [sflag:s26] =	dma.local [hbm:s1], $0x1000  }
0xc1: {  	_ =	swait.ge [sflag:s6], $0x1000  }
0xc2: {  	[sflag:s6] =	ssyncset.done $0x0  }
0xc3: {  	s1 =	rddreg [dreg:$0xc];
	[sflag:s6] =	ssyncadd.s32 $0xFFFFF000  }
0xc4: {  	[hbm:s1], [sflag:s28] =	dma.local [spmem:s14], $0x1000  }
0xc5: {  	_ =	swait.ge [sflag:s9], $0x1000  }
0xc6: {  	[sflag:s9] =	ssyncset.done $0x0  }
0xc7: {  	s1 =	rddreg [dreg:$0xd];
	[sflag:s9] =	ssyncadd.s32 $0xFFFFF000  }
0xc8: {  	[spmem:s10], [sflag:s29] =	dma.local [hbm:s1], $0x1000  }
0xc9: {  	_ =	swait.ge [sflag:s18], $0x1000  }
0xca: {  	[sflag:s18] =	ssyncset.done $0x0  }
0xcb: {  	s1 =	rddreg [dreg:$0xe];
	[sflag:s18] =	ssyncadd.s32 $0xFFFFF000  }
0xcc: {  	[hbm:s1], [sflag:s30] =	dma.local [spmem:s16], $0x1000  }
0xcd: {  	_ =	swait.ge [sflag:s3], $0x1000  }
0xce: {  	[sflag:s3] =	ssyncset.done $0x0  }
0xcf: {  	s1 =	rddreg [dreg:$0xf];
	[sflag:s3] =	ssyncadd.s32 $0xFFFFF000  }
0xd0: {  	[spmem:s14], [sflag:s2] =	dma.local [hbm:s1], $0x1000  }
0xd1: {  	_ =	swait.ge [sflag:s13], $0x1000  }
0xd2: {  	[sflag:s13] =	ssyncset.done $0x0  }
0xd3: {  	s1 =	rddreg [dreg:$0x10];
	[sflag:s13] =	ssyncadd.s32 $0xFFFFF000  }
0xd4: {  	[hbm:s1], [sflag:s31] =	dma.local [spmem:s10], $0x1000  }
0xd5: {  	_ =	swait.ge [sflag:s7], $0x1000  }
0xd6: {  	[sflag:s7] =	ssyncset.done $0x0  }
0xd7: {  	s1 =	rddreg [dreg:$0x11];
	[sflag:s7] =	ssyncadd.s32 $0xFFFFF000  }
0xd8: {  	[spmem:s16], [sflag:s26] =	dma.local [hbm:s1], $0x1000  }
0xd9: {  	_ =	swait.ge [sflag:s6], $0x1000  }
0xda: {  	[sflag:s6] =	ssyncset.done $0x0  }
0xdb: {  	s1 =	rddreg [dreg:$0x12];
	[sflag:s6] =	ssyncadd.s32 $0xFFFFF000  }
0xdc: {  	[hbm:s1], [sflag:s28] =	dma.local [spmem:s14], $0x1000  }
0xdd: {  	_ =	swait.ge [sflag:s9], $0x1000  }
0xde: {  	[sflag:s9] =	ssyncset.done $0x0  }
0xdf: {  	s1 =	rddreg [dreg:$0x13];
	[sflag:s9] =	ssyncadd.s32 $0xFFFFF000  }
0xe0: {  	[spmem:s10], [sflag:s29] =	dma.local [hbm:s1], $0x1000  }
0xe1: {  	_ =	swait.ge [sflag:s18], $0x1000  }
0xe2: {  	[sflag:s18] =	ssyncset.done $0x0  }
0xe3: {  	s1 =	rddreg [dreg:$0x14];
	[sflag:s18] =	ssyncadd.s32 $0xFFFFF000  }
0xe4: {  	[hbm:s1], [sflag:s30] =	dma.local [spmem:s16], $0x1000  }
0xe5: {  	_ =	swait.ge [sflag:s3], $0x1000  }
0xe6: {  	[sflag:s3] =	ssyncset.done $0x0  }
0xe7: {  	s1 =	rddreg [dreg:$0x15];
	[sflag:s3] =	ssyncadd.s32 $0xFFFFF000  }
0xe8: {  	[spmem:s14], [sflag:s2] =	dma.local [hbm:s1], $0x1000  }
0xe9: {  	_ =	swait.ge [sflag:s13], $0x1000  }
0xea: {  	[sflag:s13] =	ssyncset.done $0x0  }
0xeb: {  	s1 =	rddreg [dreg:$0x16];
	[sflag:s13] =	ssyncadd.s32 $0xFFFFF000  }
0xec: {  	[hbm:s1], [sflag:s31] =	dma.local [spmem:s10], $0x1000  }
0xed: {  	_ =	swait.ge [sflag:s7], $0x1000  }
0xee: {  	[sflag:s7] =	ssyncset.done $0x0  }
0xef: {  	[sflag:s7] =	ssyncadd.s32 $0xFFFFF000  }
0xf0: {  	[spmem:s16], [sflag:s26] =	dma.local [hbm:s24], $0x1000  }
0xf1: {  	_ =	swait.ge [sflag:s6], $0x1000  }
0xf2: {  	[sflag:s6] =	ssyncset.done $0x0  }
0xf3: {  	[sflag:s6] =	ssyncadd.s32 $0xFFFFF000  }
0xf4: {  	[hbm:s23], [sflag:s28] =	dma.local [spmem:s14], $0x1000  }
0xf5: {  	_ =	swait.ge [sflag:s9], $0x1000  }
0xf6: {  	[sflag:s9] =	ssyncset.done $0x0  }
0xf7: {  	[sflag:s9] =	ssyncadd.s32 $0xFFFFF000  }
0xf8: {  	[spmem:s10], [sflag:s29] =	dma.local [hbm:s22], $0x1000  }
0xf9: {  	_ =	swait.ge [sflag:s18], $0x1000  }
0xfa: {  	[sflag:s18] =	ssyncset.done $0x0  }
0xfb: {  	[sflag:s18] =	ssyncadd.s32 $0xFFFFF000  }
0xfc: {  	[hbm:s21], [sflag:s30] =	dma.local [spmem:s16], $0x1000  }
0xfd: {  	_ =	swait.ge [sflag:s3], $0x1000  }
0xfe: {  	[sflag:s3] =	ssyncset.done $0x0  }
0xff: {  	[sflag:s3] =	ssyncadd.s32 $0xFFFFF000  }
0x100: {  	[spmem:s14], [sflag:s2] =	dma.local [hbm:s20], $0x1000  }
0x101: {  	_ =	swait.ge [sflag:s13], $0x1000  }
0x102: {  	[sflag:s13] =	ssyncset.done $0x0  }
0x103: {  	[sflag:s13] =	ssyncadd.s32 $0xFFFFF000  }
0x104: {  	[hbm:s19], [sflag:s31] =	dma.local [spmem:s10], $0x1000  }
0x105: {  	_ =	swait.ge [sflag:s7], $0x1000  }
0x106: {  	[sflag:s7] =	ssyncset.done $0x0  }
0x107: {  	[sflag:s7] =	ssyncadd.s32 $0xFFFFF000  }
0x108: {  	[spmem:s16], [sflag:s26] =	dma.local [hbm:s17], $0x1000  }
0x109: {  	_ =	swait.ge [sflag:s6], $0x1000  }
0x10a: {  	[sflag:s6] =	ssyncset.done $0x0  }
0x10b: {  	[sflag:s6] =	ssyncadd.s32 $0xFFFFF000  }
0x10c: {  	[hbm:s15], [sflag:s28] =	dma.local [spmem:s14], $0x1000  }
0x10d: {  	_ =	swait.ge [sflag:s9], $0x1000  }
0x10e: {  	[sflag:s9] =	ssyncset.done $0x0  }
0x10f: {  	[sflag:s9] =	ssyncadd.s32 $0xFFFFF000  }
0x110: {  	[spmem:s10], [sflag:s29] =	dma.local [hbm:s12], $0x1000  }
0x111: {  	_ =	swait.ge [sflag:s18], $0x1000  }
0x112: {  	[sflag:s18] =	ssyncset.done $0x0  }
0x113: {  	[sflag:s18] =	ssyncadd.s32 $0xFFFFF000  }
0x114: {  	[hbm:s11], [sflag:s30] =	dma.local [spmem:s16], $0x1000  }
0x115: {  	_ =	swait.ge [sflag:s3], $0x1000  }
0x116: {  	[sflag:s3] =	ssyncset.done $0x0  }
0x117: {  	[sflag:s3] =	ssyncadd.s32 $0xFFFFF000  }
0x118: {  	[spmem:s14], [sflag:s2] =	dma.local [hbm:s8], $0x1000  }
0x119: {  	_ =	swait.ge [sflag:s13], $0x1000  }
0x11a: {  	[sflag:s13] =	ssyncset.done $0x0  }
0x11b: {  	[sflag:s13] =	ssyncadd.s32 $0xFFFFF000  }
0x11c: {  	[hbm:s5], [sflag:s31] =	dma.local [spmem:s10], $0x1000  }
0x11d: {  	_ =	swait.ge [sflag:s6], $0x1000  }
0x11e: {  	[sflag:s6] =	ssyncset.done $0x0  }
0x11f: {  	[sflag:s6] =	ssyncadd.s32 $0xFFFFF000  }
0x120: {  	[hbm:s4], [sflag:s28] =	dma.local [spmem:s14], $0x1000  }
0x121: {  	_ =	swait.ge [sflag:s7], $0x1000  }
0x122: {  	[sflag:s7] =	ssyncset.done $0x0  }
0x123: {  	p1 =	sne.s32 s0, $0x1;
	[sflag:s7] =	ssyncadd.s32 $0xFFFFF000  }
.Ltmp2:
0x124: {  	_ =	swait.ge [sflag:s9], $0x1000;
	(pc) =	sbr.rel @p1 .LBB2_3-.Ltmp2, $4  }
0x125: {  	[sflag:s9] =	ssyncset.done $0x0  }
0x126: {  	[sflag:s9] =	ssyncadd.s32 $0xFFFFF000  }
0x127: {  	_ =	swait.ge [sflag:s3], $0x1000  }
0x128: {  	s0 =	sadd.s32 $0xFFFFFFFF, s0;
	s1 =	rddreg [dreg:$0x4];
	[sflag:s3] =	ssyncset.done $0x0  }
0x129: {  	s30 =	rddreg [dreg:$0x3];
	s31 =	stileid.u32  }
.LBB2_5:
0x12a: {  	[sflag:s3] =	ssyncadd.s32 @p0 $0xFFFFF000  }
0x12b: {  	[spmem:s14], [sflag:s2] =	dma.local [hbm:s1], $0x1000  }
0x12c: {  	s26 =	sor.u32 $0x1C02, s25;
	s0 =	rddreg [dreg:$0x5]  }
0x12d: {  	[spmem:s16], [sflag:s26] =	dma.local [hbm:s0], $0x1000  }
0x12e: {  	_ =	swait.ge [sflag:s6], $0x1000  }
0x12f: {  	[sflag:s6] =	ssyncset.done $0x0  }
0x130: {  	s0 =	sor.u32 $0x1C04, s25;
	s29 =	rddreg [dreg:$0x6];
	[sflag:s6] =	ssyncadd.s32 $0xFFFFF000  }
0x131: {  	[hbm:s29], [sflag:s0] =	dma.local [spmem:s14], $0x1000  }
0x132: {  	s28 =	sor.u32 $0x1C03, s25;
	s1 =	rddreg [dreg:$0x7]  }
0x133: {  	[spmem:s10], [sflag:s28] =	dma.local [hbm:s1], $0x1000  }
0x134: {  	_ =	swait.ge [sflag:s18], $0x1000  }
0x135: {  	[sflag:s18] =	ssyncset.done $0x0  }
0x136: {  	s29 =	sor.u32 $0x1C05, s25;
	s1 =	rddreg [dreg:$0x8];
	[sflag:s18] =	ssyncadd.s32 $0xFFFFF000  }
0x137: {  	[hbm:s1], [sflag:s29] =	dma.local [spmem:s16], $0x1000  }
0x138: {  	_ =	swait.ge [sflag:s3], $0x1000  }
0x139: {  	[sflag:s3] =	ssyncset.done $0x0  }
0x13a: {  	s1 =	rddreg [dreg:$0x9];
	[sflag:s3] =	ssyncadd.s32 $0xFFFFF000  }
0x13b: {  	[spmem:s14], [sflag:s2] =	dma.local [hbm:s1], $0x1000  }
0x13c: {  	_ =	swait.ge [sflag:s13], $0x1000  }
0x13d: {  	[sflag:s13] =	ssyncset.done $0x0  }
0x13e: {  	s25 =	sor.u32 $0x1C06, s25;
	s1 =	rddreg [dreg:$0xa];
	[sflag:s13] =	ssyncadd.s32 $0xFFFFF000  }
0x13f: {  	[hbm:s1], [sflag:s25] =	dma.local [spmem:s10], $0x1000  }
0x140: {  	_ =	swait.ge [sflag:s7], $0x1000  }
0x141: {  	[sflag:s7] =	ssyncset.done $0x0  }
0x142: {  	s1 =	rddreg [dreg:$0xb];
	[sflag:s7] =	ssyncadd.s32 $0xFFFFF000  }
0x143: {  	[spmem:s16], [sflag:s26] =	dma.local [hbm:s1], $0x1000  }
0x144: {  	_ =	swait.ge [sflag:s6], $0x1000  }
0x145: {  	[sflag:s6] =	ssyncset.done $0x0  }
0x146: {  	s1 =	rddreg [dreg:$0xc];
	[sflag:s6] =	ssyncadd.s32 $0xFFFFF000  }
0x147: {  	[hbm:s1], [sflag:s0] =	dma.local [spmem:s14], $0x1000  }
0x148: {  	_ =	swait.ge [sflag:s9], $0x1000  }
0x149: {  	[sflag:s9] =	ssyncset.done $0x0  }
0x14a: {  	s1 =	rddreg [dreg:$0xd];
	[sflag:s9] =	ssyncadd.s32 $0xFFFFF000  }
0x14b: {  	[spmem:s10], [sflag:s28] =	dma.local [hbm:s1], $0x1000  }
0x14c: {  	_ =	swait.ge [sflag:s18], $0x1000  }
0x14d: {  	[sflag:s18] =	ssyncset.done $0x0  }
0x14e: {  	s1 =	rddreg [dreg:$0xe];
	[sflag:s18] =	ssyncadd.s32 $0xFFFFF000  }
0x14f: {  	[hbm:s1], [sflag:s29] =	dma.local [spmem:s16], $0x1000  }
0x150: {  	_ =	swait.ge [sflag:s3], $0x1000  }
0x151: {  	[sflag:s3] =	ssyncset.done $0x0  }
0x152: {  	s1 =	rddreg [dreg:$0xf];
	[sflag:s3] =	ssyncadd.s32 $0xFFFFF000  }
0x153: {  	[spmem:s14], [sflag:s2] =	dma.local [hbm:s1], $0x1000  }
0x154: {  	_ =	swait.ge [sflag:s13], $0x1000  }
0x155: {  	[sflag:s13] =	ssyncset.done $0x0  }
0x156: {  	s1 =	rddreg [dreg:$0x10];
	[sflag:s13] =	ssyncadd.s32 $0xFFFFF000  }
0x157: {  	[hbm:s1], [sflag:s25] =	dma.local [spmem:s10], $0x1000  }
0x158: {  	_ =	swait.ge [sflag:s7], $0x1000  }
0x159: {  	[sflag:s7] =	ssyncset.done $0x0  }
0x15a: {  	s1 =	rddreg [dreg:$0x11];
	[sflag:s7] =	ssyncadd.s32 $0xFFFFF000  }
0x15b: {  	[spmem:s16], [sflag:s26] =	dma.local [hbm:s1], $0x1000  }
0x15c: {  	_ =	swait.ge [sflag:s6], $0x1000  }
0x15d: {  	[sflag:s6] =	ssyncset.done $0x0  }
0x15e: {  	s1 =	rddreg [dreg:$0x12];
	[sflag:s6] =	ssyncadd.s32 $0xFFFFF000  }
0x15f: {  	[hbm:s1], [sflag:s0] =	dma.local [spmem:s14], $0x1000  }
0x160: {  	_ =	swait.ge [sflag:s9], $0x1000  }
0x161: {  	[sflag:s9] =	ssyncset.done $0x0  }
0x162: {  	s1 =	rddreg [dreg:$0x13];
	[sflag:s9] =	ssyncadd.s32 $0xFFFFF000  }
0x163: {  	[spmem:s10], [sflag:s28] =	dma.local [hbm:s1], $0x1000  }
0x164: {  	_ =	swait.ge [sflag:s18], $0x1000  }
0x165: {  	[sflag:s18] =	ssyncset.done $0x0  }
0x166: {  	s1 =	rddreg [dreg:$0x14];
	[sflag:s18] =	ssyncadd.s32 $0xFFFFF000  }
0x167: {  	[hbm:s1], [sflag:s29] =	dma.local [spmem:s16], $0x1000  }
0x168: {  	_ =	swait.ge [sflag:s3], $0x1000  }
0x169: {  	[sflag:s3] =	ssyncset.done $0x0  }
0x16a: {  	s1 =	rddreg [dreg:$0x15];
	[sflag:s3] =	ssyncadd.s32 $0xFFFFF000  }
0x16b: {  	[spmem:s14], [sflag:s2] =	dma.local [hbm:s1], $0x1000  }
0x16c: {  	_ =	swait.ge [sflag:s13], $0x1000  }
0x16d: {  	[sflag:s13] =	ssyncset.done $0x0  }
0x16e: {  	s1 =	rddreg [dreg:$0x16];
	[sflag:s13] =	ssyncadd.s32 $0xFFFFF000  }
0x16f: {  	[hbm:s1], [sflag:s25] =	dma.local [spmem:s10], $0x1000  }
0x170: {  	_ =	swait.ge [sflag:s7], $0x1000  }
0x171: {  	[sflag:s7] =	ssyncset.done $0x0  }
0x172: {  	[sflag:s7] =	ssyncadd.s32 $0xFFFFF000  }
0x173: {  	[spmem:s16], [sflag:s26] =	dma.local [hbm:s24], $0x1000  }
0x174: {  	_ =	swait.ge [sflag:s6], $0x1000  }
0x175: {  	[sflag:s6] =	ssyncset.done $0x0  }
0x176: {  	[sflag:s6] =	ssyncadd.s32 $0xFFFFF000  }
0x177: {  	[hbm:s23], [sflag:s0] =	dma.local [spmem:s14], $0x1000  }
0x178: {  	_ =	swait.ge [sflag:s9], $0x1000  }
0x179: {  	[sflag:s9] =	ssyncset.done $0x0  }
0x17a: {  	[sflag:s9] =	ssyncadd.s32 $0xFFFFF000  }
0x17b: {  	[spmem:s10], [sflag:s28] =	dma.local [hbm:s22], $0x1000  }
0x17c: {  	_ =	swait.ge [sflag:s18], $0x1000  }
0x17d: {  	[sflag:s18] =	ssyncset.done $0x0  }
0x17e: {  	[sflag:s18] =	ssyncadd.s32 $0xFFFFF000  }
0x17f: {  	[hbm:s21], [sflag:s29] =	dma.local [spmem:s16], $0x1000  }
0x180: {  	_ =	swait.ge [sflag:s3], $0x1000  }
0x181: {  	[sflag:s3] =	ssyncset.done $0x0  }
0x182: {  	[sflag:s3] =	ssyncadd.s32 $0xFFFFF000  }
0x183: {  	[spmem:s14], [sflag:s2] =	dma.local [hbm:s20], $0x1000  }
0x184: {  	_ =	swait.ge [sflag:s13], $0x1000  }
0x185: {  	[sflag:s13] =	ssyncset.done $0x0  }
0x186: {  	[sflag:s13] =	ssyncadd.s32 $0xFFFFF000  }
0x187: {  	[hbm:s19], [sflag:s25] =	dma.local [spmem:s10], $0x1000  }
0x188: {  	_ =	swait.ge [sflag:s7], $0x1000  }
0x189: {  	[sflag:s7] =	ssyncset.done $0x0  }
0x18a: {  	[sflag:s7] =	ssyncadd.s32 $0xFFFFF000  }
0x18b: {  	[spmem:s16], [sflag:s26] =	dma.local [hbm:s17], $0x1000  }
0x18c: {  	_ =	swait.ge [sflag:s6], $0x1000  }
0x18d: {  	[sflag:s6] =	ssyncset.done $0x0  }
0x18e: {  	[sflag:s6] =	ssyncadd.s32 $0xFFFFF000  }
0x18f: {  	[hbm:s15], [sflag:s0] =	dma.local [spmem:s14], $0x1000  }
0x190: {  	_ =	swait.ge [sflag:s9], $0x1000  }
0x191: {  	[sflag:s9] =	ssyncset.done $0x0  }
0x192: {  	[sflag:s9] =	ssyncadd.s32 $0xFFFFF000  }
0x193: {  	[spmem:s10], [sflag:s28] =	dma.local [hbm:s12], $0x1000  }
0x194: {  	_ =	swait.ge [sflag:s18], $0x1000  }
0x195: {  	[sflag:s18] =	ssyncset.done $0x0  }
0x196: {  	[sflag:s18] =	ssyncadd.s32 $0xFFFFF000  }
0x197: {  	[hbm:s11], [sflag:s29] =	dma.local [spmem:s16], $0x1000  }
0x198: {  	_ =	swait.ge [sflag:s3], $0x1000  }
0x199: {  	[sflag:s3] =	ssyncset.done $0x0  }
0x19a: {  	[sflag:s3] =	ssyncadd.s32 $0xFFFFF000  }
0x19b: {  	[spmem:s14], [sflag:s2] =	dma.local [hbm:s8], $0x1000  }
0x19c: {  	_ =	swait.ge [sflag:s13], $0x1000  }
0x19d: {  	[sflag:s13] =	ssyncset.done $0x0  }
0x19e: {  	[sflag:s13] =	ssyncadd.s32 $0xFFFFF000  }
0x19f: {  	[hbm:s5], [sflag:s25] =	dma.local [spmem:s10], $0x1000  }
0x1a0: {  	_ =	swait.ge [sflag:s6], $0x1000  }
0x1a1: {  	[sflag:s6] =	ssyncset.done $0x0  }
0x1a2: {  	[sflag:s6] =	ssyncadd.s32 $0xFFFFF000  }
0x1a3: {  	[hbm:s4], [sflag:s0] =	dma.local [spmem:s14], $0x1000  }
0x1a4: {  	_ =	swait.ge [sflag:s7], $0x1000  }
0x1a5: {  	[sflag:s7] =	ssyncset.done $0x0  }
0x1a6: {  	[sflag:s7] =	ssyncadd.s32 $0xFFFFF000  }
0x1a7: {  	_ =	swait.ge [sflag:s9], $0x1000  }
0x1a8: {  	[sflag:s9] =	ssyncset.done $0x0  }
0x1a9: {  	[sflag:s9] =	ssyncadd.s32 $0xFFFFF000  }
0x1aa: {  	_ =	swait.ge [sflag:s3], $0x1000  }
0x1ab: {  	[sflag:s3] =	ssyncset.done $0x0  }
0x1ac: {  	[sflag:s3] =	ssyncadd.s32 $0xFFFFF000  }
0x1ad: {  	_ =	sfence.sel $0x180000  }
0x1ae: {  	[bflag:$0x0] =	sbarrier.arrive $0xFFFF  }
0x1af: {  	p0 =	sne.s32 s31, $0x0;
	_ =	strace $0x9000004A  }
0x1b0: {  	s0 =	sadd.s32 @!p0 $0x100000, s30;
	[bflag:$0x2] =	sbarrier.arrive $0xFFFF  }
0x1b1: {  	[sflag:s0] =	ssyncadd.tile.s32 @!p0 $0x1;
	_ =	shalt  }
.LBB2_2:
.Ltmp3:
0x1b2: {  	(pc) =	sbr.rel .LBB2_5-.Ltmp3, $2  }
0x1b3: {  	_ =	sdelay $0x2  }
0x1b4: {  	s30 =	rddreg [dreg:$0x3];
	s31 =	stileid.u32  }
.Lfunc_end2:
_tile_overlayer_lowered:
.L_overlay_start_2:
0x1b5: {  	(tag) =	ssettag $0x2  }
0x1b6: {  	s0 =	rddreg [dreg:$0x0];
	s2 =	stileid.u32  }
0x1b7: {  	s1 =	rddreg [dreg:$0x1];
	p0 =	sne.s32 s2, $0x0  }
0x1b8: {  	s3 =	rddreg [dreg:$0x2];
	[bflag:$0x3] =	sbarrier.arrive $0xFFFF;
	s2 =	simm.s32 @!p0 $0x1C07  }
0x1b9: {  	[timem:s3], [sflag:s2] =	dma.local @!p0 [hbm:s0], s1  }
0x1ba: {  	s0 =	simm.s32 @!p0 $0x7  }
0x1bb: {  	_ =	swait.ge @!p0 [sflag:s0], s1  }
0x1bc: {  	s1 =	ssub.s32 @!p0 $0x0, s1;
	[sflag:s0] =	ssyncset.done @!p0 $0x0  }
0x1bd: {  	[sflag:s0] =	ssyncadd.s32 @!p0 s1  }
0x1be: {  	[bflag:$0x3] =	sbarrier.arrive $0xFFFF  }
0x1bf: {  	_ =	shalt  }

// kernel: sparse-core-data-format-call.cloned.1.call-start
scs
called_computation_lowered:
.L_overlay_start_0:
0x0: {  	s2 =	sld [smem:$0x3FD9]  }
0x1: {  	s3 =	sld [smem:$0x3FFE];
	_ =	sdelay $0x1  }
0x2: {  	s1 =	srdreg.scid  }
0x3: {  	s0 =	sand.u32 $0x1, s1  }
0x4: {  	s19 =	sshll.u32 s0, $0xA;
	s2 =	sadd.s32 s3, s2  }
0x5: {  	s2 =	sadd.s32 s2, s19  }
0x6: {  	[smem:$0x3FC7] =	sst s2  }
0x7: {  	_ = 	snop  }
0x8: {  	s2 =	sld [smem:$0x3FC9]  }
0x9: {  	s20 =	sld [smem:$0x3FD0];
	(tm) =	ssettm $0x1  }
0xa: {  	s4 =	sld [smem:$0x3FFB];
	_ =	sdelay $0x3  }
0xb: {  	_ =	strace s4  }
0xc: {  	s4 =	sld [smem:$0x3FFC];
	_ =	sdelay $0x3  }
0xd: {  	_ =	strace s4  }
0xe: {  	s4 =	sld [smem:$0x3FFD];
	_ =	sdelay $0x3  }
0xf: {  	_ =	strace s4  }
0x10: {  	_ =	strace $0x8FFFFFFF  }
0x11: {  	s21 =	sld [smem:$0x3FDB];
	_ =	sdelay $0x1  }
0x12: {  	s5 =	simm.s32 $_scs_section_size  }
0x13: {  	s6 =	simm.s32 $_size__tile_overlayer_lowered;
	s7 =	simm.s32 $_tile_overlayer_lowered  }
0x14: {  	s24 =	simm.s32 $0x1BFF;
	s23 =	sshll.u32 s7, $0x1;
	s4 =	sadd.s32 s5, s21  }
0x15: {  	s8 =	simm.s32 $0x0;
	s22 =	sshll.u32 s6, $0x1;
	s6 =	sadd.s32 s23, s4  }
0x16: {  	[timem:s8], [sflag:s24] =	dma.local [hbm:s6], s22  }
0x17: {  	_ =	swait.ge [sflag:s24], s22  }
0x18: {  	s5 =	ssub.s32 $0x0, s22;
	[sflag:s24] =	ssyncset.done $0x0  }
0x19: {  	[sflag:s24] =	ssyncadd.s32 s5;
	_ =	sdelay $0x1  }
0x1a: {  	s25 =	simm.s32 $0x1B8B  }
0x1b: {  	_ =	swait.ge [sflag:s25], $0x1  }
0x1c: {  	[sflag:s25] =	ssyncset.done $0x0  }
0x1d: {  	s26 =	simm.s32 $0x1B8E;
	[sflag:s25] =	ssyncadd.s32 $0xFFFFFFFF  }
0x1e: {  	s27 =	simm.s32 $execute0_lowered;
	[smem:$0x3FD2] =	sst s26  }
0x1f: {  	s5 =	sshll.u32 s27, $0x1;
	_ =	strace $0x80000046;
	[dreg:$0x1] =	wrdreg $0xFFFFFFFF  }
0x20: {  	s28 =	simm.s32 $_size_execute0_lowered;
	s4 =	sadd.s32 s4, s5;
	[dreg:$0x0] =	wrdreg $0x0  }
0x21: {  	s5 =	sshll.u32 s28, $0x1;
	[dreg:$0x2] =	wrdreg s4  }
0x22: {  	[dreg:$0x3] =	wrdreg s5  }
0x23: {  	[dreg:$0x4] =	wrdreg $0xC0  }
0x24: {  	_ =	task [dreg:s8], $0x5FFFF  }
0x25: {  	[dreg:$0x1] =	wrdreg $0xFFFFFFFF  }
0x26: {  	[dreg:$0x0] =	wrdreg $0x60  }
0x27: {  	[dreg:$0x2] =	wrdreg s2  }
0x28: {  	[dreg:$0x3] =	wrdreg s20  }
0x29: {  	[dreg:$0x4] =	wrdreg $0x9  }
0x2a: {  	_ =	task.clear_ibuf [dreg:s8], $0x5FFFF;
	_ =	strace $0x90000046  }
0x2b: {  	s29 =	simm.s32 $0x9;
	_ =	strace $0x80000048  }
0x2c: {  	_ =	swait.ge [sflag:s29], $0x1  }
0x2d: {  	[sflag:s29] =	ssyncadd.s32 $0xFFFFFFFF  }
0x2e: {  	_ =	strace $0x90000048  }
0x2f: {  	_ =	sfence  }
0x30: {  	s30 =	sld [smem:$0x0];
	_ =	sdelay $0x2  }
0x31: {  	s31 =	sshll.u32 s1, $0xD;
	s1 =	sshrl.u32 s1, $0x2  }
0x32: {  	s3 =	sand.u32 $0x4000, s31;
	s1 =	sadd.s32 s1, s30  }
0x33: {  	s0 =	sor.u32 s3, s0;
	s1 =	sshll.u32 s1, $0x11  }
0x34: {  	s0 =	sor.u32 s1, s0  }
0x35: {  	s0 =	sadd.s32 $0x8F2B, s0  }
0x36: {  	[sflag:s0] =	ssyncadd.remote.s32 $0x1  }
0x37: {  	_ =	sfence.sel $0xFFFF  }
0x38: {  	[dreg:$0x0] =	wrdreg $0xFFFFFFFF;
	(pc) =	sbr.abs _section_cstart, $3  }
0x39: {  	[dreg:$0x1] =	wrdreg $0xFFFFFFFF  }
0x3a: {  	_ =	task.clear_ibuf [dreg:s8], $0x2FFFF;
	_ =	strace $0x9FFFFFFF  }
0x3b: {  	(tm) =	ssettm $0x7FFFFFFF  }
tec
execute0_lowered:
.L_overlay_start_1:
0x0: {  	(tag) =	ssettag $0x1  }
0x1: {  	s0 =	srdreg.scid  }
0x2: {  	s1 =	sshll.u32 s0, $0x4  }
0x3: {  	s2 =	rddreg [dreg:$0x0];
	s0 =	stileid.u32;
	s1 =	sand.u32 $0x10, s1  }
0x4: {  	s4 =	rddreg [dreg:$0x1];
	s1 =	sor.u32 s0, s1  }
0x5: {  	s7 =	simm.s32 $0x1;
	s8 =	simm.s32 $0x2;
	s3 =	sshll.u32 s1, $0x1  }
0x6: {  	s9 =	simm.s32 $0x0;
	s12 =	simm.s32 $0x0;
	s6 =	ssub.s32 $0x800, s3  }
.Ltmp0:
0x7: {  	s11 =	simm.s32 $0x0;
	s5 =	sand.u32 $0x3E, s6;
	(pc) =	sbr.rel .LBB1_1-.Ltmp0, $4  }
0x8: {  	s1 =	rddreg [dreg:$0x2];
	_ =	strace $0x80000047;
	p0 =	sne.s32 s5, $0x0  }
0x9: {  	s6 =	sshrl.u32 s6, $0x6;
	s5 =	simm.s32 $0x1;
	s7 =	simm.s32 @!p0 $0x0  }
0xa: {  	s10 =	smov.u32 s3;
	[sflag:s5] =	ssyncpa.u1 $0x0;
	s6 =	sadd.s32 s7, s6  }
0xb: {  	[sflag:s8] =	ssyncpa.u1 $0x0;
	s8 =	simm.s32 $0x0;
	s7 =	sadd.s32 $0x1, s6  }
.LBB1_9:
0xc: {  	s14 =	sadd.s32 $0x40, s10  }
0xd: {  	p1 =	sgt.s32 s14, $0x7FF  }
0xe: {  	s14 =	smov.u32 @p1 s3;
	p1 =	sne.s32 s11, s7  }
.Ltmp1:
0xf: {  	p0 =	slt.u32 s11, $0x2;
	(pc) =	sbr.rel @!p1 .LBB1_10-.Ltmp1, $4  }
0x10: {  	s13 =	simm.s32 @!p0 $0x2  }
0x11: {  	s15 =	sadd.s32 $0x1, s11;
	_ =	swait.ge @!p0 [sflag:s13], $0x4000  }
0x12: {  	s12 =	smov.u32 s10;
	s9 =	sadd.s32 $0x4000, s9;
	[sflag:s13] =	ssyncset.done @!p0 $0x0  }
0x13: {  	s11 =	smov.u32 s15;
	s10 =	smov.u32 s14;
	[sflag:s13] =	ssyncadd.s32 @!p0 $0xFFFFC000  }
.LBB1_1:
0x14: {  	p0 =	sge.u32 s11, s6  }
0x15: {  	s13 =	sxor.u32 @!p0 $0xFFFFFFFF, s11  }
0x16: {  	s31 =	sadd.s32 $0xFFFFFFFF, s11;
	s14 =	sshll.u32 @!p0 s10, $0xA;
	s13 =	sshll.u32 @!p0 s13, $0xE  }
0x17: {  	s15 =	simm.s32 @!p0 $0x0;
	s14 =	sadd.s32 @!p0 s2, s14;
	s13 =	sand.u32 @!p0 $0x4000, s13  }
0x18: {  	[tilespmem:s13], [sflag:$0x1] =	stream.linear.gather @!p0 [hbm4b:s14+s15], $0x4000, $0x38;
	[tilespmem:$0x10000] =	vst v63  }
0x19: {  	p0 =	sge.u32 s31, s6  }
.Ltmp2:
0x1a: {  	_ = 	snop;
	(pc) =	sbr.rel @p0 .LBB1_9-.Ltmp2, $1  }
0x1b: {  	_ =	sdelay $0x3  }
0x1c: {  	s13 =	sshll.u32 s9, $0x2  }
0x1d: {  	_ =	swait.ge [sflag:s5], $0x4000;
	s14 =	sshll.u32 s11, $0xE;
	s16 =	simm.s32 $0x0  }
0x1e: {  	p1 =	por $0x1, $0x1;
	s13 =	sand.u32 $0x10000, s13;
	[sflag:s5] =	ssyncset.done $0x0  }
0x1f: {  	s14 =	sand.u32 $0x4000, s14;
	s15 =	sshrl.u32 s13, $0x2;
	[sflag:s5] =	ssyncadd.s32 $0xFFFFC000  }
0x20: {  	s13 =	sor.u32 $0x8000, s14;
	s14 =	sadd.s32 $0x8040, s15;
	s15 =	sadd.s32 $0x40, s15  }
.LBB1_3:
0x21: {  	s16 =	sshll.u32 s16, $0x2  }
0x22: {  	p0 =	por p1, p1;
	s17 =	sshra.s32 s16, $0x2  }
0x23: {  	s18 =	simm.s32 $0x0;
	s16 =	sadd.s32 s17, s14;
	s17 =	sadd.s32 s17, s15  }
.LBB1_4:
0x24: {  	v0 =	vmov s17;
	_ =	sdelay $0x3  }
0x25: {  	s20 =	simm.s32 $0x0  }
0x26: {  	v6 =	vld.idx.msk [tilespmem:v0+s20+$0x30 ss:$0x1], $0xffff  }
0x27: {  	v7 =	vld.idx.msk [tilespmem:v0+s20+$0xFFFFFFC0 ss:$0x1], $0xffff  }
0x28: {  	v5 =	vld.idx.msk [tilespmem:v0+s20+$0xFFFFFFD0 ss:$0x1], $0xffff  }
0x29: {  	v4 =	vld.idx.msk [tilespmem:v0+s20+$0xFFFFFFE0 ss:$0x1], $0xffff  }
0x2a: {  	v3 =	vld.idx.msk [tilespmem:v0+s20+$0xFFFFFFF0 ss:$0x1], $0xffff  }
0x2b: {  	v1 =	vld.idx.msk [tilespmem:v0+s20+$0x0 ss:$0x1], $0xffff  }
0x2c: {  	v2 =	vld.idx.msk [tilespmem:v0+s20+$0x10 ss:$0x1], $0xffff;
	[tilespmem:s16+$0x30] =	vst v6  }
0x2d: {  	s19 =	simm.s32 $0x80;
	s21 =	simm.s32 $0x400;
	[tilespmem:s16+$0xFFFFFFC0] =	vst v7;
	v6 =	vld.idx.msk [tilespmem:v0+s20+$0x20 ss:$0x1], $0xffff;
	s20 =	smov.u32 s16  }
.LBB1_5:
0x2e: {  	p1 =	sne.s32 s21, $0xE00;
	v7 =	vld.idx.msk [tilespmem:v0+s19+$0x30 ss:$0x1], $0xffff;
	[tilespmem:s20+$0xFFFFFFD0] =	vst v5  }
0x2f: {  	v8 =	vld.idx.msk [tilespmem:v0+s19+$0xFFFFFFC0 ss:$0x1], $0xffff;
	[tilespmem:s20+$0xFFFFFFE0] =	vst v4  }
0x30: {  	v5 =	vld.idx.msk [tilespmem:v0+s19+$0xFFFFFFD0 ss:$0x1], $0xffff;
	[tilespmem:s20+$0xFFFFFFF0] =	vst v3  }
.Ltmp3:
0x31: {  	v4 =	vld.idx.msk [tilespmem:v0+s19+$0xFFFFFFE0 ss:$0x1], $0xffff;
	[tilespmem:s20+$0x0] =	vst v1;
	(pc) =	sbr.rel @p1 .LBB1_5-.Ltmp3, $4  }
0x32: {  	v3 =	vld.idx.msk [tilespmem:v0+s19+$0xFFFFFFF0 ss:$0x1], $0xffff;
	[tilespmem:s20+$0x10] =	vst v2  }
0x33: {  	v1 =	vld.idx.msk [tilespmem:v0+s19+$0x0 ss:$0x1], $0xffff;
	[tilespmem:s20+$0x20] =	vst v6;
	s20 =	sadd.s32 $0x400, s20  }
0x34: {  	v2 =	vld.idx.msk [tilespmem:v0+s19+$0x10 ss:$0x1], $0xffff;
	[tilespmem:s20+$0x30] =	vst v7  }
0x35: {  	[tilespmem:s20+$0xFFFFFFC0] =	vst v8;
	v6 =	vld.idx.msk [tilespmem:v0+s19+$0x20 ss:$0x1], $0xffff;
	s19 =	sshra.s32 s21, $0x2;
	s21 =	sadd.s32 $0x200, s21  }
0x36: {  	_ =	sdelay $0x2  }
0x37: {  	[tilespmem:s20+$0xFFFFFFD0] =	vst v5  }
0x38: {  	v56 =	vld.idx.msk [tilespmem:v0+s19+$0x30 ss:$0x1], $0xffff;
	[tilespmem:s20+$0xFFFFFFE0] =	vst v4  }
0x39: {  	v57 =	vld.idx.msk [tilespmem:v0+s19+$0xFFFFFFC0 ss:$0x1], $0xffff;
	[tilespmem:s20+$0xFFFFFFF0] =	vst v3  }
0x3a: {  	v58 =	vld.idx.msk [tilespmem:v0+s19+$0xFFFFFFD0 ss:$0x1], $0xffff;
	[tilespmem:s20+$0x0] =	vst v1  }
0x3b: {  	v59 =	vld.idx.msk [tilespmem:v0+s19+$0xFFFFFFE0 ss:$0x1], $0xffff;
	[tilespmem:s20+$0x10] =	vst v2  }
0x3c: {  	v60 =	vld.idx.msk [tilespmem:v0+s19+$0xFFFFFFF0 ss:$0x1], $0xffff;
	s31 =	sadd.s32 $0x400, s20;
	[tilespmem:s20+$0x20] =	vst v6  }
0x3d: {  	v61 =	vld.idx.msk [tilespmem:v0+s19+$0x0 ss:$0x1], $0xffff;
	[tilespmem:s31+$0x30] =	vst v56  }
0x3e: {  	v62 =	vld.idx.msk [tilespmem:v0+s19+$0x10 ss:$0x1], $0xffff;
	s18 =	sadd.s32 $0x1, s18;
	[tilespmem:s31+$0xFFFFFFC0] =	vst v57  }
0x3f: {  	v63 =	vld.idx.msk [tilespmem:v0+s19+$0x20 ss:$0x1], $0xffff;
	p1 =	sne.s32 s18, $0x8;
	[tilespmem:s31+$0xFFFFFFD0] =	vst v58  }
.Ltmp4:
0x40: {  	[tilespmem:s31+$0xFFFFFFE0] =	vst v59;
	(pc) =	sbr.rel @p1 .LBB1_4-.Ltmp4, $4  }
0x41: {  	[tilespmem:s31+$0xFFFFFFF0] =	vst v60  }
0x42: {  	[tilespmem:s31+$0x0] =	vst v61  }
0x43: {  	[tilespmem:s31+$0x10] =	vst v62  }
0x44: {  	s16 =	sadd.s32 $0x80, s16;
	s17 =	sadd.s32 $0x400, s17;
	[tilespmem:s31+$0x20] =	vst v63  }
.Ltmp5:
0x45: {  	(pc) =	sbr.rel @p0 .LBB1_3-.Ltmp5, $2  }
0x46: {  	_ =	sdelay $0x2  }
0x47: {  	s16 =	simm.s32 $0x2000;
	p1 =	por $0x0, $0x0  }
.Ltmp6:
0x48: {  	(pc) =	sbr.rel .LBB1_9-.Ltmp6, $4  }
0x49: {  	_ = 	snop  }
0x4a: {  	s12 =	sshll.u32 s12, $0xA  }
0x4b: {  	s12 =	sadd.s32 s4, s12  }
0x4c: {  	[hbm4b:s12+s8] =	stream.linear.scatter [tilespmem:s13], [sflag:$0x2], $0x4000, $0x38;
	[tilespmem:$0x10000] =	vst v63  }
.LBB1_10:
0x4d: {  	_ =	sfence.sel $0x180000  }
0x4e: {  	s2 =	simm.s32 $0x1;
	[bflag:$0x0] =	sbarrier.arrive $0xFFFF  }
0x4f: {  	s31 =	simm.s32 $0x2;
	[sflag:s2] =	ssyncpa.u1 $0x1  }
0x50: {  	[sflag:s31] =	ssyncpa.u1 $0x1  }
0x51: {  	p0 =	sne.s32 s0, $0x0;
	_ =	strace $0x90000047  }
0x52: {  	s0 =	sadd.s32 @!p0 $0x100000, s1;
	[bflag:$0x2] =	sbarrier.arrive $0xFFFF  }
0x53: {  	[sflag:s0] =	ssyncadd.tile.s32 @!p0 $0x1;
	_ =	shalt  }
.Lfunc_end1:
_tile_overlayer_lowered:
.L_overlay_start_2:
0x54: {  	(tag) =	ssettag $0x2  }
0x55: {  	s0 =	rddreg [dreg:$0x0];
	s2 =	stileid.u32  }
0x56: {  	s1 =	rddreg [dreg:$0x1];
	p0 =	sne.s32 s2, $0x0  }
0x57: {  	s3 =	rddreg [dreg:$0x2];
	[bflag:$0x3] =	sbarrier.arrive $0xFFFF;
	s2 =	simm.s32 @!p0 $0x1C01  }
0x58: {  	[timem:s3], [sflag:s2] =	dma.local @!p0 [hbm:s0], s1  }
0x59: {  	s0 =	simm.s32 @!p0 $0x1  }
0x5a: {  	_ =	swait.ge @!p0 [sflag:s0], s1  }
0x5b: {  	s1 =	ssub.s32 @!p0 $0x0, s1;
	[sflag:s0] =	ssyncset.done @!p0 $0x0  }
0x5c: {  	[sflag:s0] =	ssyncadd.s32 @!p0 s1  }
0x5d: {  	[bflag:$0x3] =	sbarrier.arrive $0xFFFF  }
0x5e: {  	_ =	shalt  }

</sc_bundles>
